<compile_context>
chip_gen: v7x
topology: tpu7x:2x2x1
jax: 0.10.2.dev20260603
libtpu: 0.0.44.dev20260713+nightly
codegen_flags: <defaults>
</compile_context>

<pallas_src>
import jax
import jax.numpy as jnp
from jax import lax
from jax.experimental import pallas as pl
from jax.experimental.pallas import tpu as pltpu
from jax.experimental.pallas import tpu_sc as plsc

VOCAB = 1000000
EMB_DIM = 64
NC = 2
NS = 16
NW = NC * NS

CHUNK = 128
K = 4
GROUP = K * CHUNK


def _emb_kernel_body(x_hbm, table_hbm, out_hbm, idx_v, buf0, buf1, gsem0,
                     gsem1, ssem0, ssem1):
    wid = lax.axis_index("s") * NC + lax.axis_index("c")
    n_idx_rows = idx_v.shape[0]
    n_groups = n_idx_rows // K
    base = wid * (n_idx_rows * CHUNK)

    pltpu.sync_copy(x_hbm.at[wid], idx_v)

    def fire_gathers(g, buf, gsem):
        for j in range(K):
            pltpu.async_copy(table_hbm.at[idx_v.at[g * K + j]],
                             buf.at[pl.ds(j * CHUNK, CHUNK)], gsem)

    def wait_gathers(buf, gsem):
        for j in range(K):
            pltpu.make_async_copy(out_hbm.at[pl.ds(0, CHUNK)],
                                  buf.at[pl.ds(j * CHUNK, CHUNK)], gsem).wait()

    def fire_store(g, buf, ssem):
        pltpu.async_copy(buf, out_hbm.at[pl.ds(base + g * GROUP, GROUP)], ssem)

    def wait_store(buf, ssem):
        pltpu.make_async_copy(buf, out_hbm.at[pl.ds(base, GROUP)], ssem).wait()

    fire_gathers(0, buf0, gsem0)
    fire_gathers(1, buf1, gsem1)
    wait_gathers(buf0, gsem0)
    fire_store(0, buf0, ssem0)

    def body(i, carry):
        g = 2 * i + 2
        wait_store(buf0, ssem0)
        fire_gathers(g, buf0, gsem0)
        wait_gathers(buf1, gsem1)
        fire_store(g - 1, buf1, ssem1)
        wait_store(buf1, ssem1)
        fire_gathers(g + 1, buf1, gsem1)
        wait_gathers(buf0, gsem0)
        fire_store(g, buf0, ssem0)
        return carry

    lax.fori_loop(0, (n_groups - 2) // 2, body, 0)

    wait_gathers(buf1, gsem1)
    fire_store(n_groups - 1, buf1, ssem1)
    wait_store(buf0, ssem0)
    wait_store(buf1, ssem1)


def kernel(x, table):
    B = x.shape[0] * x.shape[1]
    assert B % (NW * GROUP * 2) == 0
    n_idx_rows = B // (NW * CHUNK)
    x_flat = x.reshape(NW, n_idx_rows, CHUNK).astype(jnp.int32)

    mesh = plsc.VectorSubcoreMesh(core_axis_name="c", subcore_axis_name="s")
    out = pl.kernel(
        _emb_kernel_body,
        out_type=jax.ShapeDtypeStruct((B, EMB_DIM), jnp.float32),
        mesh=mesh,
        scratch_types=[
            pltpu.VMEM((n_idx_rows, CHUNK), jnp.int32),
            pltpu.VMEM((GROUP, EMB_DIM), jnp.float32),
            pltpu.VMEM((GROUP, EMB_DIM), jnp.float32),
            pltpu.SemaphoreType.DMA,
            pltpu.SemaphoreType.DMA,
            pltpu.SemaphoreType.DMA,
            pltpu.SemaphoreType.DMA,
        ],
        compiler_params=pltpu.CompilerParams(use_tc_tiling_on_sc=False),
    )(x_flat, table)
    return out.reshape(x.shape[0], x.shape[1], EMB_DIM)

# --- scband reference (transcript-rebuilt; emitter-appended) ---
"""Pipeline reference for scband-input-embedding-56109452755382 (READ-ONLY COPY).

The authoritative reference and input builder live on the scoring server;
editing this copy changes nothing except your own understanding.
"""

import jax, jax.numpy as jnp
import numpy as np

VOCAB = 1000000
EMB_DIM = 64
ADD_EMB = 1

def setup_inputs(seed: int = 0) -> dict:
    key = jax.random.key(seed)
    k1, k2 = jax.random.split(key)
    x = jax.random.randint(k1, (16384, 50), 0, VOCAB, dtype=jnp.int64 if jax.config.jax_enable_x64 else jnp.int32)
    table = jax.random.normal(k2, (VOCAB + ADD_EMB, EMB_DIM), dtype=jnp.float32)
    return {"x": x, "table": table}

def reference(x, table):
    # nn.Embedding forward: gather rows of the embedding table
    return jnp.take(table, x, axis=0)

if __name__ == "__main__":
    import jax
    _d = setup_inputs()
    print(jax.jit(kernel)(*tuple(_d.values())))

</pallas_src>

<mosaic_0001>
#map = affine_map<(d0, d1) -> (0, 0, 0)>
#map1 = affine_map<(d0, d1) -> (0, 0)>
module attributes {stable_mosaic.version = 14 : i64} {
  func.func @_emb_kernel_body(%arg0: i32, %arg1: i32, %arg2: memref<32x200x128xi32, #tpu.memory_space<hbm>>, %arg3: memref<1000001x64xf32, #tpu.memory_space<hbm>>, %arg4: memref<819200x64xf32, #tpu.memory_space<hbm>>, %arg5: memref<200x128xi32, #tpu.memory_space<vmem>>, %arg6: memref<512x64xf32, #tpu.memory_space<vmem>>, %arg7: memref<512x64xf32, #tpu.memory_space<vmem>>, %arg8: memref<!tpu.dma_semaphore, #tpu.memory_space<semaphore_mem>>, %arg9: memref<!tpu.dma_semaphore, #tpu.memory_space<semaphore_mem>>, %arg10: memref<!tpu.dma_semaphore, #tpu.memory_space<semaphore_mem>>, %arg11: memref<!tpu.dma_semaphore, #tpu.memory_space<semaphore_mem>>) attributes {dimension_semantics = [#tpu.dimension_semantics<core_parallel>, #tpu.dimension_semantics<subcore_parallel>], iteration_bounds = array<i64: 2, 16>, scalar_prefetch = 0 : i64, scratch_operands = 7 : i64, tpu.core_type = #tpu.core_type<sc_vector_subcore>, window_params = [{transform_indices = #map}, {transform_indices = #map1}, {transform_indices = #map1}]} {
    %mul3A = arith.constant 2 : i32
    %mul3A_0 = arith.muli %arg1, %mul3A : i32
    %add3A = arith.addi %mul3A_0, %arg0 : i32
    %mul3A_1 = arith.constant 25600 : i32
    %mul3A_2 = arith.muli %add3A, %mul3A_1 : i32
    "tpu.region"() ({
      %run_scoped3A = tpu.sem_alloc : memref<!tpu.dma_semaphore, #tpu.memory_space<semaphore_mem>>
      %dma_start3A_202 = arith.constant 0 : i32
      %dma_start3A_203 = arith.constant 0 : i32
      %dma_start3A_204 = tpu.memref_slice %arg2[%add3A, %dma_start3A_202, %dma_start3A_203] : memref<32x200x128xi32, #tpu.memory_space<hbm>> -> memref<1x200x128xi32, #tpu.memory_space<hbm>>
      %dma_start3A_205 = tpu.memref_squeeze %dma_start3A_204 : memref<1x200x128xi32, #tpu.memory_space<hbm>> -> memref<200x128xi32, #tpu.memory_space<hbm>>
      %dma_start3A_206 = arith.constant 0 : i32
      %dma_start3A_207 = arith.constant 0 : i32
      %dma_start3A_208 = tpu.memref_slice %arg2[%add3A, %dma_start3A_206, %dma_start3A_207] : memref<32x200x128xi32, #tpu.memory_space<hbm>> -> memref<1x200x128xi32, #tpu.memory_space<hbm>>
      %dma_start3A_209 = tpu.memref_squeeze %dma_start3A_208 : memref<1x200x128xi32, #tpu.memory_space<hbm>> -> memref<200x128xi32, #tpu.memory_space<hbm>>
      tpu.enqueue_dma source(%dma_start3A_209 : memref<200x128xi32, #tpu.memory_space<hbm>>) target(%arg5 : memref<200x128xi32, #tpu.memory_space<vmem>>) target_semaphore(%run_scoped3A : memref<!tpu.dma_semaphore, #tpu.memory_space<semaphore_mem>>)
      %dma_wait3A_210 = arith.constant 0 : i32
      %dma_wait3A_211 = arith.constant 0 : i32
      %dma_wait3A_212 = tpu.memref_slice %arg2[%add3A, %dma_wait3A_210, %dma_wait3A_211] : memref<32x200x128xi32, #tpu.memory_space<hbm>> -> memref<1x200x128xi32, #tpu.memory_space<hbm>>
      %dma_wait3A_213 = tpu.memref_squeeze %dma_wait3A_212 : memref<1x200x128xi32, #tpu.memory_space<hbm>> -> memref<200x128xi32, #tpu.memory_space<hbm>>
      %dma_wait3A_214 = arith.constant 0 : i32
      %dma_wait3A_215 = arith.constant 0 : i32
      %dma_wait3A_216 = tpu.memref_slice %arg2[%add3A, %dma_wait3A_214, %dma_wait3A_215] : memref<32x200x128xi32, #tpu.memory_space<hbm>> -> memref<1x200x128xi32, #tpu.memory_space<hbm>>
      %dma_wait3A_217 = tpu.memref_squeeze %dma_wait3A_216 : memref<1x200x128xi32, #tpu.memory_space<hbm>> -> memref<200x128xi32, #tpu.memory_space<hbm>>
      tpu.wait_dma2 semaphore(%run_scoped3A : memref<!tpu.dma_semaphore, #tpu.memory_space<semaphore_mem>>) src(%dma_wait3A_217 : memref<200x128xi32, #tpu.memory_space<hbm>>) dst(%arg5 : memref<200x128xi32, #tpu.memory_space<vmem>>)
      tpu.yield
    }) : () -> ()
    %dma_start3A = arith.constant 0 : i32
    %dma_start3A_3 = arith.constant 0 : i32
    %dma_start3A_4 = arith.constant 0 : i32
    %dma_start3A_5 = tpu.memref_slice %arg6[%dma_start3A_3, %dma_start3A_4] : memref<512x64xf32, #tpu.memory_space<vmem>> -> memref<128x64xf32, #tpu.memory_space<vmem>>
    %dma_start3A_6 = arith.constant 0 : i32
    %dma_start3A_7 = tpu.memref_slice %arg5[%dma_start3A, %dma_start3A_6] : memref<200x128xi32, #tpu.memory_space<vmem>> -> memref<1x128xi32, #tpu.memory_space<vmem>>
    %dma_start3A_8 = tpu.memref_squeeze %dma_start3A_7 : memref<1x128xi32, #tpu.memory_space<vmem>> -> memref<128xi32, #tpu.memory_space<vmem>>
    %dma_start3A_9 = arith.constant 0 : i32
    %dma_start3A_10 = arith.constant 0 : i32
    %dma_start3A_11 = tpu.memref_slice %arg3[%dma_start3A_9, %dma_start3A_10] : memref<1000001x64xf32, #tpu.memory_space<hbm>> -> memref<1000001x64xf32, #tpu.memory_space<hbm>>
    tpu.enqueue_indirect_dma source(%dma_start3A_11 : memref<1000001x64xf32, #tpu.memory_space<hbm>>) target(%dma_start3A_5 : memref<128x64xf32, #tpu.memory_space<vmem>>) offsets(%dma_start3A_8 : memref<128xi32, #tpu.memory_space<vmem>>) semaphore(%arg8 : memref<!tpu.dma_semaphore, #tpu.memory_space<semaphore_mem>>)
    %dma_start3A_12 = arith.constant 1 : i32
    %dma_start3A_13 = arith.constant 128 : i32
    %dma_start3A_14 = arith.constant 0 : i32
    %dma_start3A_15 = tpu.memref_slice %arg6[%dma_start3A_13, %dma_start3A_14] : memref<512x64xf32, #tpu.memory_space<vmem>> -> memref<128x64xf32, #tpu.memory_space<vmem>>
    %dma_start3A_16 = arith.constant 0 : i32
    %dma_start3A_17 = tpu.memref_slice %arg5[%dma_start3A_12, %dma_start3A_16] : memref<200x128xi32, #tpu.memory_space<vmem>> -> memref<1x128xi32, #tpu.memory_space<vmem>>
    %dma_start3A_18 = tpu.memref_squeeze %dma_start3A_17 : memref<1x128xi32, #tpu.memory_space<vmem>> -> memref<128xi32, #tpu.memory_space<vmem>>
    %dma_start3A_19 = arith.constant 0 : i32
    %dma_start3A_20 = arith.constant 0 : i32
    %dma_start3A_21 = tpu.memref_slice %arg3[%dma_start3A_19, %dma_start3A_20] : memref<1000001x64xf32, #tpu.memory_space<hbm>> -> memref<1000001x64xf32, #tpu.memory_space<hbm>>
    tpu.enqueue_indirect_dma source(%dma_start3A_21 : memref<1000001x64xf32, #tpu.memory_space<hbm>>) target(%dma_start3A_15 : memref<128x64xf32, #tpu.memory_space<vmem>>) offsets(%dma_start3A_18 : memref<128xi32, #tpu.memory_space<vmem>>) semaphore(%arg8 : memref<!tpu.dma_semaphore, #tpu.memory_space<semaphore_mem>>)
    %dma_start3A_22 = arith.constant 2 : i32
    %dma_start3A_23 = arith.constant 256 : i32
    %dma_start3A_24 = arith.constant 0 : i32
    %dma_start3A_25 = tpu.memref_slice %arg6[%dma_start3A_23, %dma_start3A_24] : memref<512x64xf32, #tpu.memory_space<vmem>> -> memref<128x64xf32, #tpu.memory_space<vmem>>
    %dma_start3A_26 = arith.constant 0 : i32
    %dma_start3A_27 = tpu.memref_slice %arg5[%dma_start3A_22, %dma_start3A_26] : memref<200x128xi32, #tpu.memory_space<vmem>> -> memref<1x128xi32, #tpu.memory_space<vmem>>
    %dma_start3A_28 = tpu.memref_squeeze %dma_start3A_27 : memref<1x128xi32, #tpu.memory_space<vmem>> -> memref<128xi32, #tpu.memory_space<vmem>>
    %dma_start3A_29 = arith.constant 0 : i32
    %dma_start3A_30 = arith.constant 0 : i32
    %dma_start3A_31 = tpu.memref_slice %arg3[%dma_start3A_29, %dma_start3A_30] : memref<1000001x64xf32, #tpu.memory_space<hbm>> -> memref<1000001x64xf32, #tpu.memory_space<hbm>>
    tpu.enqueue_indirect_dma source(%dma_start3A_31 : memref<1000001x64xf32, #tpu.memory_space<hbm>>) target(%dma_start3A_25 : memref<128x64xf32, #tpu.memory_space<vmem>>) offsets(%dma_start3A_28 : memref<128xi32, #tpu.memory_space<vmem>>) semaphore(%arg8 : memref<!tpu.dma_semaphore, #tpu.memory_space<semaphore_mem>>)
    %dma_start3A_32 = arith.constant 3 : i32
    %dma_start3A_33 = arith.constant 384 : i32
    %dma_start3A_34 = arith.constant 0 : i32
    %dma_start3A_35 = tpu.memref_slice %arg6[%dma_start3A_33, %dma_start3A_34] : memref<512x64xf32, #tpu.memory_space<vmem>> -> memref<128x64xf32, #tpu.memory_space<vmem>>
    %dma_start3A_36 = arith.constant 0 : i32
    %dma_start3A_37 = tpu.memref_slice %arg5[%dma_start3A_32, %dma_start3A_36] : memref<200x128xi32, #tpu.memory_space<vmem>> -> memref<1x128xi32, #tpu.memory_space<vmem>>
    %dma_start3A_38 = tpu.memref_squeeze %dma_start3A_37 : memref<1x128xi32, #tpu.memory_space<vmem>> -> memref<128xi32, #tpu.memory_space<vmem>>
    %dma_start3A_39 = arith.constant 0 : i32
    %dma_start3A_40 = arith.constant 0 : i32
    %dma_start3A_41 = tpu.memref_slice %arg3[%dma_start3A_39, %dma_start3A_40] : memref<1000001x64xf32, #tpu.memory_space<hbm>> -> memref<1000001x64xf32, #tpu.memory_space<hbm>>
    tpu.enqueue_indirect_dma source(%dma_start3A_41 : memref<1000001x64xf32, #tpu.memory_space<hbm>>) target(%dma_start3A_35 : memref<128x64xf32, #tpu.memory_space<vmem>>) offsets(%dma_start3A_38 : memref<128xi32, #tpu.memory_space<vmem>>) semaphore(%arg8 : memref<!tpu.dma_semaphore, #tpu.memory_space<semaphore_mem>>)
    %dma_start3A_42 = arith.constant 4 : i32
    %dma_start3A_43 = arith.constant 0 : i32
    %dma_start3A_44 = arith.constant 0 : i32
    %dma_start3A_45 = tpu.memref_slice %arg7[%dma_start3A_43, %dma_start3A_44] : memref<512x64xf32, #tpu.memory_space<vmem>> -> memref<128x64xf32, #tpu.memory_space<vmem>>
    %dma_start3A_46 = arith.constant 0 : i32
    %dma_start3A_47 = tpu.memref_slice %arg5[%dma_start3A_42, %dma_start3A_46] : memref<200x128xi32, #tpu.memory_space<vmem>> -> memref<1x128xi32, #tpu.memory_space<vmem>>
    %dma_start3A_48 = tpu.memref_squeeze %dma_start3A_47 : memref<1x128xi32, #tpu.memory_space<vmem>> -> memref<128xi32, #tpu.memory_space<vmem>>
    %dma_start3A_49 = arith.constant 0 : i32
    %dma_start3A_50 = arith.constant 0 : i32
    %dma_start3A_51 = tpu.memref_slice %arg3[%dma_start3A_49, %dma_start3A_50] : memref<1000001x64xf32, #tpu.memory_space<hbm>> -> memref<1000001x64xf32, #tpu.memory_space<hbm>>
    tpu.enqueue_indirect_dma source(%dma_start3A_51 : memref<1000001x64xf32, #tpu.memory_space<hbm>>) target(%dma_start3A_45 : memref<128x64xf32, #tpu.memory_space<vmem>>) offsets(%dma_start3A_48 : memref<128xi32, #tpu.memory_space<vmem>>) semaphore(%arg9 : memref<!tpu.dma_semaphore, #tpu.memory_space<semaphore_mem>>)
    %dma_start3A_52 = arith.constant 5 : i32
    %dma_start3A_53 = arith.constant 128 : i32
    %dma_start3A_54 = arith.constant 0 : i32
    %dma_start3A_55 = tpu.memref_slice %arg7[%dma_start3A_53, %dma_start3A_54] : memref<512x64xf32, #tpu.memory_space<vmem>> -> memref<128x64xf32, #tpu.memory_space<vmem>>
    %dma_start3A_56 = arith.constant 0 : i32
    %dma_start3A_57 = tpu.memref_slice %arg5[%dma_start3A_52, %dma_start3A_56] : memref<200x128xi32, #tpu.memory_space<vmem>> -> memref<1x128xi32, #tpu.memory_space<vmem>>
    %dma_start3A_58 = tpu.memref_squeeze %dma_start3A_57 : memref<1x128xi32, #tpu.memory_space<vmem>> -> memref<128xi32, #tpu.memory_space<vmem>>
    %dma_start3A_59 = arith.constant 0 : i32
    %dma_start3A_60 = arith.constant 0 : i32
    %dma_start3A_61 = tpu.memref_slice %arg3[%dma_start3A_59, %dma_start3A_60] : memref<1000001x64xf32, #tpu.memory_space<hbm>> -> memref<1000001x64xf32, #tpu.memory_space<hbm>>
    tpu.enqueue_indirect_dma source(%dma_start3A_61 : memref<1000001x64xf32, #tpu.memory_space<hbm>>) target(%dma_start3A_55 : memref<128x64xf32, #tpu.memory_space<vmem>>) offsets(%dma_start3A_58 : memref<128xi32, #tpu.memory_space<vmem>>) semaphore(%arg9 : memref<!tpu.dma_semaphore, #tpu.memory_space<semaphore_mem>>)
    %dma_start3A_62 = arith.constant 6 : i32
    %dma_start3A_63 = arith.constant 256 : i32
    %dma_start3A_64 = arith.constant 0 : i32
    %dma_start3A_65 = tpu.memref_slice %arg7[%dma_start3A_63, %dma_start3A_64] : memref<512x64xf32, #tpu.memory_space<vmem>> -> memref<128x64xf32, #tpu.memory_space<vmem>>
    %dma_start3A_66 = arith.constant 0 : i32
    %dma_start3A_67 = tpu.memref_slice %arg5[%dma_start3A_62, %dma_start3A_66] : memref<200x128xi32, #tpu.memory_space<vmem>> -> memref<1x128xi32, #tpu.memory_space<vmem>>
    %dma_start3A_68 = tpu.memref_squeeze %dma_start3A_67 : memref<1x128xi32, #tpu.memory_space<vmem>> -> memref<128xi32, #tpu.memory_space<vmem>>
    %dma_start3A_69 = arith.constant 0 : i32
    %dma_start3A_70 = arith.constant 0 : i32
    %dma_start3A_71 = tpu.memref_slice %arg3[%dma_start3A_69, %dma_start3A_70] : memref<1000001x64xf32, #tpu.memory_space<hbm>> -> memref<1000001x64xf32, #tpu.memory_space<hbm>>
    tpu.enqueue_indirect_dma source(%dma_start3A_71 : memref<1000001x64xf32, #tpu.memory_space<hbm>>) target(%dma_start3A_65 : memref<128x64xf32, #tpu.memory_space<vmem>>) offsets(%dma_start3A_68 : memref<128xi32, #tpu.memory_space<vmem>>) semaphore(%arg9 : memref<!tpu.dma_semaphore, #tpu.memory_space<semaphore_mem>>)
    %dma_start3A_72 = arith.constant 7 : i32
    %dma_start3A_73 = arith.constant 384 : i32
    %dma_start3A_74 = arith.constant 0 : i32
    %dma_start3A_75 = tpu.memref_slice %arg7[%dma_start3A_73, %dma_start3A_74] : memref<512x64xf32, #tpu.memory_space<vmem>> -> memref<128x64xf32, #tpu.memory_space<vmem>>
    %dma_start3A_76 = arith.constant 0 : i32
    %dma_start3A_77 = tpu.memref_slice %arg5[%dma_start3A_72, %dma_start3A_76] : memref<200x128xi32, #tpu.memory_space<vmem>> -> memref<1x128xi32, #tpu.memory_space<vmem>>
    %dma_start3A_78 = tpu.memref_squeeze %dma_start3A_77 : memref<1x128xi32, #tpu.memory_space<vmem>> -> memref<128xi32, #tpu.memory_space<vmem>>
    %dma_start3A_79 = arith.constant 0 : i32
    %dma_start3A_80 = arith.constant 0 : i32
    %dma_start3A_81 = tpu.memref_slice %arg3[%dma_start3A_79, %dma_start3A_80] : memref<1000001x64xf32, #tpu.memory_space<hbm>> -> memref<1000001x64xf32, #tpu.memory_space<hbm>>
    tpu.enqueue_indirect_dma source(%dma_start3A_81 : memref<1000001x64xf32, #tpu.memory_space<hbm>>) target(%dma_start3A_75 : memref<128x64xf32, #tpu.memory_space<vmem>>) offsets(%dma_start3A_78 : memref<128xi32, #tpu.memory_space<vmem>>) semaphore(%arg9 : memref<!tpu.dma_semaphore, #tpu.memory_space<semaphore_mem>>)
    %dma_wait3A = arith.constant 0 : i32
    %dma_wait3A_82 = arith.constant 0 : i32
    %dma_wait3A_83 = tpu.memref_slice %arg6[%dma_wait3A, %dma_wait3A_82] : memref<512x64xf32, #tpu.memory_space<vmem>> -> memref<128x64xf32, #tpu.memory_space<vmem>>
    %dma_wait3A_84 = arith.constant 0 : i32
    %dma_wait3A_85 = arith.constant 0 : i32
    %dma_wait3A_86 = tpu.memref_slice %arg4[%dma_wait3A_84, %dma_wait3A_85] : memref<819200x64xf32, #tpu.memory_space<hbm>> -> memref<128x64xf32, #tpu.memory_space<hbm>>
    %dma_wait3A_87 = arith.constant 0 : i32
    %dma_wait3A_88 = arith.constant 0 : i32
    %dma_wait3A_89 = tpu.memref_slice %arg6[%dma_wait3A_87, %dma_wait3A_88] : memref<512x64xf32, #tpu.memory_space<vmem>> -> memref<128x64xf32, #tpu.memory_space<vmem>>
    %dma_wait3A_90 = arith.constant 0 : i32
    %dma_wait3A_91 = arith.constant 0 : i32
    %dma_wait3A_92 = tpu.memref_slice %arg4[%dma_wait3A_90, %dma_wait3A_91] : memref<819200x64xf32, #tpu.memory_space<hbm>> -> memref<128x64xf32, #tpu.memory_space<hbm>>
    tpu.wait_dma2 semaphore(%arg8 : memref<!tpu.dma_semaphore, #tpu.memory_space<semaphore_mem>>) src(%dma_wait3A_92 : memref<128x64xf32, #tpu.memory_space<hbm>>) dst(%dma_wait3A_89 : memref<128x64xf32, #tpu.memory_space<vmem>>)
    %dma_wait3A_93 = arith.constant 128 : i32
    %dma_wait3A_94 = arith.constant 0 : i32
    %dma_wait3A_95 = tpu.memref_slice %arg6[%dma_wait3A_93, %dma_wait3A_94] : memref<512x64xf32, #tpu.memory_space<vmem>> -> memref<128x64xf32, #tpu.memory_space<vmem>>
    %dma_wait3A_96 = arith.constant 0 : i32
    %dma_wait3A_97 = arith.constant 0 : i32
    %dma_wait3A_98 = tpu.memref_slice %arg4[%dma_wait3A_96, %dma_wait3A_97] : memref<819200x64xf32, #tpu.memory_space<hbm>> -> memref<128x64xf32, #tpu.memory_space<hbm>>
    %dma_wait3A_99 = arith.constant 128 : i32
    %dma_wait3A_100 = arith.constant 0 : i32
    %dma_wait3A_101 = tpu.memref_slice %arg6[%dma_wait3A_99, %dma_wait3A_100] : memref<512x64xf32, #tpu.memory_space<vmem>> -> memref<128x64xf32, #tpu.memory_space<vmem>>
    %dma_wait3A_102 = arith.constant 0 : i32
    %dma_wait3A_103 = arith.constant 0 : i32
    %dma_wait3A_104 = tpu.memref_slice %arg4[%dma_wait3A_102, %dma_wait3A_103] : memref<819200x64xf32, #tpu.memory_space<hbm>> -> memref<128x64xf32, #tpu.memory_space<hbm>>
    tpu.wait_dma2 semaphore(%arg8 : memref<!tpu.dma_semaphore, #tpu.memory_space<semaphore_mem>>) src(%dma_wait3A_104 : memref<128x64xf32, #tpu.memory_space<hbm>>) dst(%dma_wait3A_101 : memref<128x64xf32, #tpu.memory_space<vmem>>)
    %dma_wait3A_105 = arith.constant 256 : i32
    %dma_wait3A_106 = arith.constant 0 : i32
    %dma_wait3A_107 = tpu.memref_slice %arg6[%dma_wait3A_105, %dma_wait3A_106] : memref<512x64xf32, #tpu.memory_space<vmem>> -> memref<128x64xf32, #tpu.memory_space<vmem>>
    %dma_wait3A_108 = arith.constant 0 : i32
    %dma_wait3A_109 = arith.constant 0 : i32
    %dma_wait3A_110 = tpu.memref_slice %arg4[%dma_wait3A_108, %dma_wait3A_109] : memref<819200x64xf32, #tpu.memory_space<hbm>> -> memref<128x64xf32, #tpu.memory_space<hbm>>
    %dma_wait3A_111 = arith.constant 256 : i32
    %dma_wait3A_112 = arith.constant 0 : i32
    %dma_wait3A_113 = tpu.memref_slice %arg6[%dma_wait3A_111, %dma_wait3A_112] : memref<512x64xf32, #tpu.memory_space<vmem>> -> memref<128x64xf32, #tpu.memory_space<vmem>>
    %dma_wait3A_114 = arith.constant 0 : i32
    %dma_wait3A_115 = arith.constant 0 : i32
    %dma_wait3A_116 = tpu.memref_slice %arg4[%dma_wait3A_114, %dma_wait3A_115] : memref<819200x64xf32, #tpu.memory_space<hbm>> -> memref<128x64xf32, #tpu.memory_space<hbm>>
    tpu.wait_dma2 semaphore(%arg8 : memref<!tpu.dma_semaphore, #tpu.memory_space<semaphore_mem>>) src(%dma_wait3A_116 : memref<128x64xf32, #tpu.memory_space<hbm>>) dst(%dma_wait3A_113 : memref<128x64xf32, #tpu.memory_space<vmem>>)
    %dma_wait3A_117 = arith.constant 384 : i32
    %dma_wait3A_118 = arith.constant 0 : i32
    %dma_wait3A_119 = tpu.memref_slice %arg6[%dma_wait3A_117, %dma_wait3A_118] : memref<512x64xf32, #tpu.memory_space<vmem>> -> memref<128x64xf32, #tpu.memory_space<vmem>>
    %dma_wait3A_120 = arith.constant 0 : i32
    %dma_wait3A_121 = arith.constant 0 : i32
    %dma_wait3A_122 = tpu.memref_slice %arg4[%dma_wait3A_120, %dma_wait3A_121] : memref<819200x64xf32, #tpu.memory_space<hbm>> -> memref<128x64xf32, #tpu.memory_space<hbm>>
    %dma_wait3A_123 = arith.constant 384 : i32
    %dma_wait3A_124 = arith.constant 0 : i32
    %dma_wait3A_125 = tpu.memref_slice %arg6[%dma_wait3A_123, %dma_wait3A_124] : memref<512x64xf32, #tpu.memory_space<vmem>> -> memref<128x64xf32, #tpu.memory_space<vmem>>
    %dma_wait3A_126 = arith.constant 0 : i32
    %dma_wait3A_127 = arith.constant 0 : i32
    %dma_wait3A_128 = tpu.memref_slice %arg4[%dma_wait3A_126, %dma_wait3A_127] : memref<819200x64xf32, #tpu.memory_space<hbm>> -> memref<128x64xf32, #tpu.memory_space<hbm>>
    tpu.wait_dma2 semaphore(%arg8 : memref<!tpu.dma_semaphore, #tpu.memory_space<semaphore_mem>>) src(%dma_wait3A_128 : memref<128x64xf32, #tpu.memory_space<hbm>>) dst(%dma_wait3A_125 : memref<128x64xf32, #tpu.memory_space<vmem>>)
    %add3A_129 = arith.constant 0 : i32
    %add3A_130 = arith.addi %mul3A_2, %add3A_129 : i32
    %dma_start3A_131 = arith.constant 0 : i32
    %dma_start3A_132 = tpu.memref_slice %arg4[%add3A_130, %dma_start3A_131] : memref<819200x64xf32, #tpu.memory_space<hbm>> -> memref<512x64xf32, #tpu.memory_space<hbm>>
    %dma_start3A_133 = arith.constant 0 : i32
    %dma_start3A_134 = tpu.memref_slice %arg4[%add3A_130, %dma_start3A_133] : memref<819200x64xf32, #tpu.memory_space<hbm>> -> memref<512x64xf32, #tpu.memory_space<hbm>>
    tpu.enqueue_dma source(%arg6 : memref<512x64xf32, #tpu.memory_space<vmem>>) target(%dma_start3A_134 : memref<512x64xf32, #tpu.memory_space<hbm>>) target_semaphore(%arg10 : memref<!tpu.dma_semaphore, #tpu.memory_space<semaphore_mem>>)
    %scan3A = arith.constant 0 : i32
    %scan3A_135 = arith.constant 0 : i32
    %scan3A_136 = arith.constant 24 : i32
    %scan3A_137 = arith.addi %scan3A_135, %scan3A_136 : i32
    %scan3A_138 = arith.constant 1 : i32
    scf.for %scan3A_202 = %scan3A_135 to %scan3A_137 step %scan3A_138  : i32 {
      %mul3A_203 = arith.constant 2 : i32
      %mul3A_204 = arith.muli %mul3A_203, %scan3A_202 : i32
      %add3A_205 = arith.constant 2 : i32
      %add3A_206 = arith.addi %mul3A_204, %add3A_205 : i32
      %dma_wait3A_207 = arith.constant 0 : i32
      %dma_wait3A_208 = tpu.memref_slice %arg4[%mul3A_2, %dma_wait3A_207] : memref<819200x64xf32, #tpu.memory_space<hbm>> -> memref<512x64xf32, #tpu.memory_space<hbm>>
      %dma_wait3A_209 = arith.constant 0 : i32
      %dma_wait3A_210 = tpu.memref_slice %arg4[%mul3A_2, %dma_wait3A_209] : memref<819200x64xf32, #tpu.memory_space<hbm>> -> memref<512x64xf32, #tpu.memory_space<hbm>>
      tpu.wait_dma2 semaphore(%arg10 : memref<!tpu.dma_semaphore, #tpu.memory_space<semaphore_mem>>) src(%arg6 : memref<512x64xf32, #tpu.memory_space<vmem>>) dst(%dma_wait3A_210 : memref<512x64xf32, #tpu.memory_space<hbm>>)
      %mul3A_211 = arith.constant 4 : i32
      %mul3A_212 = arith.muli %add3A_206, %mul3A_211 : i32
      %add3A_213 = arith.constant 0 : i32
      %add3A_214 = arith.addi %mul3A_212, %add3A_213 : i32
      %dma_start3A_215 = arith.constant 0 : i32
      %dma_start3A_216 = arith.constant 0 : i32
      %dma_start3A_217 = tpu.memref_slice %arg6[%dma_start3A_215, %dma_start3A_216] : memref<512x64xf32, #tpu.memory_space<vmem>> -> memref<128x64xf32, #tpu.memory_space<vmem>>
      %dma_start3A_218 = arith.constant 0 : i32
      %dma_start3A_219 = tpu.memref_slice %arg5[%add3A_214, %dma_start3A_218] : memref<200x128xi32, #tpu.memory_space<vmem>> -> memref<1x128xi32, #tpu.memory_space<vmem>>
      %dma_start3A_220 = tpu.memref_squeeze %dma_start3A_219 : memref<1x128xi32, #tpu.memory_space<vmem>> -> memref<128xi32, #tpu.memory_space<vmem>>
      %dma_start3A_221 = arith.constant 0 : i32
      %dma_start3A_222 = arith.constant 0 : i32
      %dma_start3A_223 = tpu.memref_slice %arg3[%dma_start3A_221, %dma_start3A_222] : memref<1000001x64xf32, #tpu.memory_space<hbm>> -> memref<1000001x64xf32, #tpu.memory_space<hbm>>
      tpu.enqueue_indirect_dma source(%dma_start3A_223 : memref<1000001x64xf32, #tpu.memory_space<hbm>>) target(%dma_start3A_217 : memref<128x64xf32, #tpu.memory_space<vmem>>) offsets(%dma_start3A_220 : memref<128xi32, #tpu.memory_space<vmem>>) semaphore(%arg8 : memref<!tpu.dma_semaphore, #tpu.memory_space<semaphore_mem>>)
      %mul3A_224 = arith.constant 4 : i32
      %mul3A_225 = arith.muli %add3A_206, %mul3A_224 : i32
      %add3A_226 = arith.constant 1 : i32
      %add3A_227 = arith.addi %mul3A_225, %add3A_226 : i32
      %dma_start3A_228 = arith.constant 128 : i32
      %dma_start3A_229 = arith.constant 0 : i32
      %dma_start3A_230 = tpu.memref_slice %arg6[%dma_start3A_228, %dma_start3A_229] : memref<512x64xf32, #tpu.memory_space<vmem>> -> memref<128x64xf32, #tpu.memory_space<vmem>>
      %dma_start3A_231 = arith.constant 0 : i32
      %dma_start3A_232 = tpu.memref_slice %arg5[%add3A_227, %dma_start3A_231] : memref<200x128xi32, #tpu.memory_space<vmem>> -> memref<1x128xi32, #tpu.memory_space<vmem>>
      %dma_start3A_233 = tpu.memref_squeeze %dma_start3A_232 : memref<1x128xi32, #tpu.memory_space<vmem>> -> memref<128xi32, #tpu.memory_space<vmem>>
      %dma_start3A_234 = arith.constant 0 : i32
      %dma_start3A_235 = arith.constant 0 : i32
      %dma_start3A_236 = tpu.memref_slice %arg3[%dma_start3A_234, %dma_start3A_235] : memref<1000001x64xf32, #tpu.memory_space<hbm>> -> memref<1000001x64xf32, #tpu.memory_space<hbm>>
      tpu.enqueue_indirect_dma source(%dma_start3A_236 : memref<1000001x64xf32, #tpu.memory_space<hbm>>) target(%dma_start3A_230 : memref<128x64xf32, #tpu.memory_space<vmem>>) offsets(%dma_start3A_233 : memref<128xi32, #tpu.memory_space<vmem>>) semaphore(%arg8 : memref<!tpu.dma_semaphore, #tpu.memory_space<semaphore_mem>>)
      %mul3A_237 = arith.constant 4 : i32
      %mul3A_238 = arith.muli %add3A_206, %mul3A_237 : i32
      %add3A_239 = arith.constant 2 : i32
      %add3A_240 = arith.addi %mul3A_238, %add3A_239 : i32
      %dma_start3A_241 = arith.constant 256 : i32
      %dma_start3A_242 = arith.constant 0 : i32
      %dma_start3A_243 = tpu.memref_slice %arg6[%dma_start3A_241, %dma_start3A_242] : memref<512x64xf32, #tpu.memory_space<vmem>> -> memref<128x64xf32, #tpu.memory_space<vmem>>
      %dma_start3A_244 = arith.constant 0 : i32
      %dma_start3A_245 = tpu.memref_slice %arg5[%add3A_240, %dma_start3A_244] : memref<200x128xi32, #tpu.memory_space<vmem>> -> memref<1x128xi32, #tpu.memory_space<vmem>>
      %dma_start3A_246 = tpu.memref_squeeze %dma_start3A_245 : memref<1x128xi32, #tpu.memory_space<vmem>> -> memref<128xi32, #tpu.memory_space<vmem>>
      %dma_start3A_247 = arith.constant 0 : i32
      %dma_start3A_248 = arith.constant 0 : i32
      %dma_start3A_249 = tpu.memref_slice %arg3[%dma_start3A_247, %dma_start3A_248] : memref<1000001x64xf32, #tpu.memory_space<hbm>> -> memref<1000001x64xf32, #tpu.memory_space<hbm>>
      tpu.enqueue_indirect_dma source(%dma_start3A_249 : memref<1000001x64xf32, #tpu.memory_space<hbm>>) target(%dma_start3A_243 : memref<128x64xf32, #tpu.memory_space<vmem>>) offsets(%dma_start3A_246 : memref<128xi32, #tpu.memory_space<vmem>>) semaphore(%arg8 : memref<!tpu.dma_semaphore, #tpu.memory_space<semaphore_mem>>)
      %mul3A_250 = arith.constant 4 : i32
      %mul3A_251 = arith.muli %add3A_206, %mul3A_250 : i32
      %add3A_252 = arith.constant 3 : i32
      %add3A_253 = arith.addi %mul3A_251, %add3A_252 : i32
      %dma_start3A_254 = arith.constant 384 : i32
      %dma_start3A_255 = arith.constant 0 : i32
      %dma_start3A_256 = tpu.memref_slice %arg6[%dma_start3A_254, %dma_start3A_255] : memref<512x64xf32, #tpu.memory_space<vmem>> -> memref<128x64xf32, #tpu.memory_space<vmem>>
      %dma_start3A_257 = arith.constant 0 : i32
      %dma_start3A_258 = tpu.memref_slice %arg5[%add3A_253, %dma_start3A_257] : memref<200x128xi32, #tpu.memory_space<vmem>> -> memref<1x128xi32, #tpu.memory_space<vmem>>
      %dma_start3A_259 = tpu.memref_squeeze %dma_start3A_258 : memref<1x128xi32, #tpu.memory_space<vmem>> -> memref<128xi32, #tpu.memory_space<vmem>>
      %dma_start3A_260 = arith.constant 0 : i32
      %dma_start3A_261 = arith.constant 0 : i32
      %dma_start3A_262 = tpu.memref_slice %arg3[%dma_start3A_260, %dma_start3A_261] : memref<1000001x64xf32, #tpu.memory_space<hbm>> -> memref<1000001x64xf32, #tpu.memory_space<hbm>>
      tpu.enqueue_indirect_dma source(%dma_start3A_262 : memref<1000001x64xf32, #tpu.memory_space<hbm>>) target(%dma_start3A_256 : memref<128x64xf32, #tpu.memory_space<vmem>>) offsets(%dma_start3A_259 : memref<128xi32, #tpu.memory_space<vmem>>) semaphore(%arg8 : memref<!tpu.dma_semaphore, #tpu.memory_space<semaphore_mem>>)
      %dma_wait3A_263 = arith.constant 0 : i32
      %dma_wait3A_264 = arith.constant 0 : i32
      %dma_wait3A_265 = tpu.memref_slice %arg7[%dma_wait3A_263, %dma_wait3A_264] : memref<512x64xf32, #tpu.memory_space<vmem>> -> memref<128x64xf32, #tpu.memory_space<vmem>>
      %dma_wait3A_266 = arith.constant 0 : i32
      %dma_wait3A_267 = arith.constant 0 : i32
      %dma_wait3A_268 = tpu.memref_slice %arg4[%dma_wait3A_266, %dma_wait3A_267] : memref<819200x64xf32, #tpu.memory_space<hbm>> -> memref<128x64xf32, #tpu.memory_space<hbm>>
      %dma_wait3A_269 = arith.constant 0 : i32
      %dma_wait3A_270 = arith.constant 0 : i32
      %dma_wait3A_271 = tpu.memref_slice %arg7[%dma_wait3A_269, %dma_wait3A_270] : memref<512x64xf32, #tpu.memory_space<vmem>> -> memref<128x64xf32, #tpu.memory_space<vmem>>
      %dma_wait3A_272 = arith.constant 0 : i32
      %dma_wait3A_273 = arith.constant 0 : i32
      %dma_wait3A_274 = tpu.memref_slice %arg4[%dma_wait3A_272, %dma_wait3A_273] : memref<819200x64xf32, #tpu.memory_space<hbm>> -> memref<128x64xf32, #tpu.memory_space<hbm>>
      tpu.wait_dma2 semaphore(%arg9 : memref<!tpu.dma_semaphore, #tpu.memory_space<semaphore_mem>>) src(%dma_wait3A_274 : memref<128x64xf32, #tpu.memory_space<hbm>>) dst(%dma_wait3A_271 : memref<128x64xf32, #tpu.memory_space<vmem>>)
      %dma_wait3A_275 = arith.constant 128 : i32
      %dma_wait3A_276 = arith.constant 0 : i32
      %dma_wait3A_277 = tpu.memref_slice %arg7[%dma_wait3A_275, %dma_wait3A_276] : memref<512x64xf32, #tpu.memory_space<vmem>> -> memref<128x64xf32, #tpu.memory_space<vmem>>
      %dma_wait3A_278 = arith.constant 0 : i32
      %dma_wait3A_279 = arith.constant 0 : i32
      %dma_wait3A_280 = tpu.memref_slice %arg4[%dma_wait3A_278, %dma_wait3A_279] : memref<819200x64xf32, #tpu.memory_space<hbm>> -> memref<128x64xf32, #tpu.memory_space<hbm>>
      %dma_wait3A_281 = arith.constant 128 : i32
      %dma_wait3A_282 = arith.constant 0 : i32
      %dma_wait3A_283 = tpu.memref_slice %arg7[%dma_wait3A_281, %dma_wait3A_282] : memref<512x64xf32, #tpu.memory_space<vmem>> -> memref<128x64xf32, #tpu.memory_space<vmem>>
      %dma_wait3A_284 = arith.constant 0 : i32
      %dma_wait3A_285 = arith.constant 0 : i32
      %dma_wait3A_286 = tpu.memref_slice %arg4[%dma_wait3A_284, %dma_wait3A_285] : memref<819200x64xf32, #tpu.memory_space<hbm>> -> memref<128x64xf32, #tpu.memory_space<hbm>>
      tpu.wait_dma2 semaphore(%arg9 : memref<!tpu.dma_semaphore, #tpu.memory_space<semaphore_mem>>) src(%dma_wait3A_286 : memref<128x64xf32, #tpu.memory_space<hbm>>) dst(%dma_wait3A_283 : memref<128x64xf32, #tpu.memory_space<vmem>>)
      %dma_wait3A_287 = arith.constant 256 : i32
      %dma_wait3A_288 = arith.constant 0 : i32
      %dma_wait3A_289 = tpu.memref_slice %arg7[%dma_wait3A_287, %dma_wait3A_288] : memref<512x64xf32, #tpu.memory_space<vmem>> -> memref<128x64xf32, #tpu.memory_space<vmem>>
      %dma_wait3A_290 = arith.constant 0 : i32
      %dma_wait3A_291 = arith.constant 0 : i32
      %dma_wait3A_292 = tpu.memref_slice %arg4[%dma_wait3A_290, %dma_wait3A_291] : memref<819200x64xf32, #tpu.memory_space<hbm>> -> memref<128x64xf32, #tpu.memory_space<hbm>>
      %dma_wait3A_293 = arith.constant 256 : i32
      %dma_wait3A_294 = arith.constant 0 : i32
      %dma_wait3A_295 = tpu.memref_slice %arg7[%dma_wait3A_293, %dma_wait3A_294] : memref<512x64xf32, #tpu.memory_space<vmem>> -> memref<128x64xf32, #tpu.memory_space<vmem>>
      %dma_wait3A_296 = arith.constant 0 : i32
      %dma_wait3A_297 = arith.constant 0 : i32
      %dma_wait3A_298 = tpu.memref_slice %arg4[%dma_wait3A_296, %dma_wait3A_297] : memref<819200x64xf32, #tpu.memory_space<hbm>> -> memref<128x64xf32, #tpu.memory_space<hbm>>
      tpu.wait_dma2 semaphore(%arg9 : memref<!tpu.dma_semaphore, #tpu.memory_space<semaphore_mem>>) src(%dma_wait3A_298 : memref<128x64xf32, #tpu.memory_space<hbm>>) dst(%dma_wait3A_295 : memref<128x64xf32, #tpu.memory_space<vmem>>)
      %dma_wait3A_299 = arith.constant 384 : i32
      %dma_wait3A_300 = arith.constant 0 : i32
      %dma_wait3A_301 = tpu.memref_slice %arg7[%dma_wait3A_299, %dma_wait3A_300] : memref<512x64xf32, #tpu.memory_space<vmem>> -> memref<128x64xf32, #tpu.memory_space<vmem>>
      %dma_wait3A_302 = arith.constant 0 : i32
      %dma_wait3A_303 = arith.constant 0 : i32
      %dma_wait3A_304 = tpu.memref_slice %arg4[%dma_wait3A_302, %dma_wait3A_303] : memref<819200x64xf32, #tpu.memory_space<hbm>> -> memref<128x64xf32, #tpu.memory_space<hbm>>
      %dma_wait3A_305 = arith.constant 384 : i32
      %dma_wait3A_306 = arith.constant 0 : i32
      %dma_wait3A_307 = tpu.memref_slice %arg7[%dma_wait3A_305, %dma_wait3A_306] : memref<512x64xf32, #tpu.memory_space<vmem>> -> memref<128x64xf32, #tpu.memory_space<vmem>>
      %dma_wait3A_308 = arith.constant 0 : i32
      %dma_wait3A_309 = arith.constant 0 : i32
      %dma_wait3A_310 = tpu.memref_slice %arg4[%dma_wait3A_308, %dma_wait3A_309] : memref<819200x64xf32, #tpu.memory_space<hbm>> -> memref<128x64xf32, #tpu.memory_space<hbm>>
      tpu.wait_dma2 semaphore(%arg9 : memref<!tpu.dma_semaphore, #tpu.memory_space<semaphore_mem>>) src(%dma_wait3A_310 : memref<128x64xf32, #tpu.memory_space<hbm>>) dst(%dma_wait3A_307 : memref<128x64xf32, #tpu.memory_space<vmem>>)
      %sub3A = arith.constant 1 : i32
      %sub3A_311 = arith.subi %add3A_206, %sub3A : i32
      %mul3A_312 = arith.constant 512 : i32
      %mul3A_313 = arith.muli %sub3A_311, %mul3A_312 : i32
      %add3A_314 = arith.addi %mul3A_2, %mul3A_313 : i32
      %dma_start3A_315 = arith.constant 0 : i32
      %dma_start3A_316 = tpu.memref_slice %arg4[%add3A_314, %dma_start3A_315] : memref<819200x64xf32, #tpu.memory_space<hbm>> -> memref<512x64xf32, #tpu.memory_space<hbm>>
      %dma_start3A_317 = arith.constant 0 : i32
      %dma_start3A_318 = tpu.memref_slice %arg4[%add3A_314, %dma_start3A_317] : memref<819200x64xf32, #tpu.memory_space<hbm>> -> memref<512x64xf32, #tpu.memory_space<hbm>>
      tpu.enqueue_dma source(%arg7 : memref<512x64xf32, #tpu.memory_space<vmem>>) target(%dma_start3A_318 : memref<512x64xf32, #tpu.memory_space<hbm>>) target_semaphore(%arg11 : memref<!tpu.dma_semaphore, #tpu.memory_space<semaphore_mem>>)
      %dma_wait3A_319 = arith.constant 0 : i32
      %dma_wait3A_320 = tpu.memref_slice %arg4[%mul3A_2, %dma_wait3A_319] : memref<819200x64xf32, #tpu.memory_space<hbm>> -> memref<512x64xf32, #tpu.memory_space<hbm>>
      %dma_wait3A_321 = arith.constant 0 : i32
      %dma_wait3A_322 = tpu.memref_slice %arg4[%mul3A_2, %dma_wait3A_321] : memref<819200x64xf32, #tpu.memory_space<hbm>> -> memref<512x64xf32, #tpu.memory_space<hbm>>
      tpu.wait_dma2 semaphore(%arg11 : memref<!tpu.dma_semaphore, #tpu.memory_space<semaphore_mem>>) src(%arg7 : memref<512x64xf32, #tpu.memory_space<vmem>>) dst(%dma_wait3A_322 : memref<512x64xf32, #tpu.memory_space<hbm>>)
      %add3A_323 = arith.constant 1 : i32
      %add3A_324 = arith.addi %add3A_206, %add3A_323 : i32
      %mul3A_325 = arith.constant 4 : i32
      %mul3A_326 = arith.muli %add3A_324, %mul3A_325 : i32
      %add3A_327 = arith.constant 0 : i32
      %add3A_328 = arith.addi %mul3A_326, %add3A_327 : i32
      %dma_start3A_329 = arith.constant 0 : i32
      %dma_start3A_330 = arith.constant 0 : i32
      %dma_start3A_331 = tpu.memref_slice %arg7[%dma_start3A_329, %dma_start3A_330] : memref<512x64xf32, #tpu.memory_space<vmem>> -> memref<128x64xf32, #tpu.memory_space<vmem>>
      %dma_start3A_332 = arith.constant 0 : i32
      %dma_start3A_333 = tpu.memref_slice %arg5[%add3A_328, %dma_start3A_332] : memref<200x128xi32, #tpu.memory_space<vmem>> -> memref<1x128xi32, #tpu.memory_space<vmem>>
      %dma_start3A_334 = tpu.memref_squeeze %dma_start3A_333 : memref<1x128xi32, #tpu.memory_space<vmem>> -> memref<128xi32, #tpu.memory_space<vmem>>
      %dma_start3A_335 = arith.constant 0 : i32
      %dma_start3A_336 = arith.constant 0 : i32
      %dma_start3A_337 = tpu.memref_slice %arg3[%dma_start3A_335, %dma_start3A_336] : memref<1000001x64xf32, #tpu.memory_space<hbm>> -> memref<1000001x64xf32, #tpu.memory_space<hbm>>
      tpu.enqueue_indirect_dma source(%dma_start3A_337 : memref<1000001x64xf32, #tpu.memory_space<hbm>>) target(%dma_start3A_331 : memref<128x64xf32, #tpu.memory_space<vmem>>) offsets(%dma_start3A_334 : memref<128xi32, #tpu.memory_space<vmem>>) semaphore(%arg9 : memref<!tpu.dma_semaphore, #tpu.memory_space<semaphore_mem>>)
      %mul3A_338 = arith.constant 4 : i32
      %mul3A_339 = arith.muli %add3A_324, %mul3A_338 : i32
      %add3A_340 = arith.constant 1 : i32
      %add3A_341 = arith.addi %mul3A_339, %add3A_340 : i32
      %dma_start3A_342 = arith.constant 128 : i32
      %dma_start3A_343 = arith.constant 0 : i32
      %dma_start3A_344 = tpu.memref_slice %arg7[%dma_start3A_342, %dma_start3A_343] : memref<512x64xf32, #tpu.memory_space<vmem>> -> memref<128x64xf32, #tpu.memory_space<vmem>>
      %dma_start3A_345 = arith.constant 0 : i32
      %dma_start3A_346 = tpu.memref_slice %arg5[%add3A_341, %dma_start3A_345] : memref<200x128xi32, #tpu.memory_space<vmem>> -> memref<1x128xi32, #tpu.memory_space<vmem>>
      %dma_start3A_347 = tpu.memref_squeeze %dma_start3A_346 : memref<1x128xi32, #tpu.memory_space<vmem>> -> memref<128xi32, #tpu.memory_space<vmem>>
      %dma_start3A_348 = arith.constant 0 : i32
      %dma_start3A_349 = arith.constant 0 : i32
      %dma_start3A_350 = tpu.memref_slice %arg3[%dma_start3A_348, %dma_start3A_349] : memref<1000001x64xf32, #tpu.memory_space<hbm>> -> memref<1000001x64xf32, #tpu.memory_space<hbm>>
      tpu.enqueue_indirect_dma source(%dma_start3A_350 : memref<1000001x64xf32, #tpu.memory_space<hbm>>) target(%dma_start3A_344 : memref<128x64xf32, #tpu.memory_space<vmem>>) offsets(%dma_start3A_347 : memref<128xi32, #tpu.memory_space<vmem>>) semaphore(%arg9 : memref<!tpu.dma_semaphore, #tpu.memory_space<semaphore_mem>>)
      %mul3A_351 = arith.constant 4 : i32
      %mul3A_352 = arith.muli %add3A_324, %mul3A_351 : i32
      %add3A_353 = arith.constant 2 : i32
      %add3A_354 = arith.addi %mul3A_352, %add3A_353 : i32
      %dma_start3A_355 = arith.constant 256 : i32
      %dma_start3A_356 = arith.constant 0 : i32
      %dma_start3A_357 = tpu.memref_slice %arg7[%dma_start3A_355, %dma_start3A_356] : memref<512x64xf32, #tpu.memory_space<vmem>> -> memref<128x64xf32, #tpu.memory_space<vmem>>
      %dma_start3A_358 = arith.constant 0 : i32
      %dma_start3A_359 = tpu.memref_slice %arg5[%add3A_354, %dma_start3A_358] : memref<200x128xi32, #tpu.memory_space<vmem>> -> memref<1x128xi32, #tpu.memory_space<vmem>>
      %dma_start3A_360 = tpu.memref_squeeze %dma_start3A_359 : memref<1x128xi32, #tpu.memory_space<vmem>> -> memref<128xi32, #tpu.memory_space<vmem>>
      %dma_start3A_361 = arith.constant 0 : i32
      %dma_start3A_362 = arith.constant 0 : i32
      %dma_start3A_363 = tpu.memref_slice %arg3[%dma_start3A_361, %dma_start3A_362] : memref<1000001x64xf32, #tpu.memory_space<hbm>> -> memref<1000001x64xf32, #tpu.memory_space<hbm>>
      tpu.enqueue_indirect_dma source(%dma_start3A_363 : memref<1000001x64xf32, #tpu.memory_space<hbm>>) target(%dma_start3A_357 : memref<128x64xf32, #tpu.memory_space<vmem>>) offsets(%dma_start3A_360 : memref<128xi32, #tpu.memory_space<vmem>>) semaphore(%arg9 : memref<!tpu.dma_semaphore, #tpu.memory_space<semaphore_mem>>)
      %mul3A_364 = arith.constant 4 : i32
      %mul3A_365 = arith.muli %add3A_324, %mul3A_364 : i32
      %add3A_366 = arith.constant 3 : i32
      %add3A_367 = arith.addi %mul3A_365, %add3A_366 : i32
      %dma_start3A_368 = arith.constant 384 : i32
      %dma_start3A_369 = arith.constant 0 : i32
      %dma_start3A_370 = tpu.memref_slice %arg7[%dma_start3A_368, %dma_start3A_369] : memref<512x64xf32, #tpu.memory_space<vmem>> -> memref<128x64xf32, #tpu.memory_space<vmem>>
      %dma_start3A_371 = arith.constant 0 : i32
      %dma_start3A_372 = tpu.memref_slice %arg5[%add3A_367, %dma_start3A_371] : memref<200x128xi32, #tpu.memory_space<vmem>> -> memref<1x128xi32, #tpu.memory_space<vmem>>
      %dma_start3A_373 = tpu.memref_squeeze %dma_start3A_372 : memref<1x128xi32, #tpu.memory_space<vmem>> -> memref<128xi32, #tpu.memory_space<vmem>>
      %dma_start3A_374 = arith.constant 0 : i32
      %dma_start3A_375 = arith.constant 0 : i32
      %dma_start3A_376 = tpu.memref_slice %arg3[%dma_start3A_374, %dma_start3A_375] : memref<1000001x64xf32, #tpu.memory_space<hbm>> -> memref<1000001x64xf32, #tpu.memory_space<hbm>>
      tpu.enqueue_indirect_dma source(%dma_start3A_376 : memref<1000001x64xf32, #tpu.memory_space<hbm>>) target(%dma_start3A_370 : memref<128x64xf32, #tpu.memory_space<vmem>>) offsets(%dma_start3A_373 : memref<128xi32, #tpu.memory_space<vmem>>) semaphore(%arg9 : memref<!tpu.dma_semaphore, #tpu.memory_space<semaphore_mem>>)
      %dma_wait3A_377 = arith.constant 0 : i32
      %dma_wait3A_378 = arith.constant 0 : i32
      %dma_wait3A_379 = tpu.memref_slice %arg6[%dma_wait3A_377, %dma_wait3A_378] : memref<512x64xf32, #tpu.memory_space<vmem>> -> memref<128x64xf32, #tpu.memory_space<vmem>>
      %dma_wait3A_380 = arith.constant 0 : i32
      %dma_wait3A_381 = arith.constant 0 : i32
      %dma_wait3A_382 = tpu.memref_slice %arg4[%dma_wait3A_380, %dma_wait3A_381] : memref<819200x64xf32, #tpu.memory_space<hbm>> -> memref<128x64xf32, #tpu.memory_space<hbm>>
      %dma_wait3A_383 = arith.constant 0 : i32
      %dma_wait3A_384 = arith.constant 0 : i32
      %dma_wait3A_385 = tpu.memref_slice %arg6[%dma_wait3A_383, %dma_wait3A_384] : memref<512x64xf32, #tpu.memory_space<vmem>> -> memref<128x64xf32, #tpu.memory_space<vmem>>
      %dma_wait3A_386 = arith.constant 0 : i32
      %dma_wait3A_387 = arith.constant 0 : i32
      %dma_wait3A_388 = tpu.memref_slice %arg4[%dma_wait3A_386, %dma_wait3A_387] : memref<819200x64xf32, #tpu.memory_space<hbm>> -> memref<128x64xf32, #tpu.memory_space<hbm>>
      tpu.wait_dma2 semaphore(%arg8 : memref<!tpu.dma_semaphore, #tpu.memory_space<semaphore_mem>>) src(%dma_wait3A_388 : memref<128x64xf32, #tpu.memory_space<hbm>>) dst(%dma_wait3A_385 : memref<128x64xf32, #tpu.memory_space<vmem>>)
      %dma_wait3A_389 = arith.constant 128 : i32
      %dma_wait3A_390 = arith.constant 0 : i32
      %dma_wait3A_391 = tpu.memref_slice %arg6[%dma_wait3A_389, %dma_wait3A_390] : memref<512x64xf32, #tpu.memory_space<vmem>> -> memref<128x64xf32, #tpu.memory_space<vmem>>
      %dma_wait3A_392 = arith.constant 0 : i32
      %dma_wait3A_393 = arith.constant 0 : i32
      %dma_wait3A_394 = tpu.memref_slice %arg4[%dma_wait3A_392, %dma_wait3A_393] : memref<819200x64xf32, #tpu.memory_space<hbm>> -> memref<128x64xf32, #tpu.memory_space<hbm>>
      %dma_wait3A_395 = arith.constant 128 : i32
      %dma_wait3A_396 = arith.constant 0 : i32
      %dma_wait3A_397 = tpu.memref_slice %arg6[%dma_wait3A_395, %dma_wait3A_396] : memref<512x64xf32, #tpu.memory_space<vmem>> -> memref<128x64xf32, #tpu.memory_space<vmem>>
      %dma_wait3A_398 = arith.constant 0 : i32
      %dma_wait3A_399 = arith.constant 0 : i32
      %dma_wait3A_400 = tpu.memref_slice %arg4[%dma_wait3A_398, %dma_wait3A_399] : memref<819200x64xf32, #tpu.memory_space<hbm>> -> memref<128x64xf32, #tpu.memory_space<hbm>>
      tpu.wait_dma2 semaphore(%arg8 : memref<!tpu.dma_semaphore, #tpu.memory_space<semaphore_mem>>) src(%dma_wait3A_400 : memref<128x64xf32, #tpu.memory_space<hbm>>) dst(%dma_wait3A_397 : memref<128x64xf32, #tpu.memory_space<vmem>>)
      %dma_wait3A_401 = arith.constant 256 : i32
      %dma_wait3A_402 = arith.constant 0 : i32
      %dma_wait3A_403 = tpu.memref_slice %arg6[%dma_wait3A_401, %dma_wait3A_402] : memref<512x64xf32, #tpu.memory_space<vmem>> -> memref<128x64xf32, #tpu.memory_space<vmem>>
      %dma_wait3A_404 = arith.constant 0 : i32
      %dma_wait3A_405 = arith.constant 0 : i32
      %dma_wait3A_406 = tpu.memref_slice %arg4[%dma_wait3A_404, %dma_wait3A_405] : memref<819200x64xf32, #tpu.memory_space<hbm>> -> memref<128x64xf32, #tpu.memory_space<hbm>>
      %dma_wait3A_407 = arith.constant 256 : i32
      %dma_wait3A_408 = arith.constant 0 : i32
      %dma_wait3A_409 = tpu.memref_slice %arg6[%dma_wait3A_407, %dma_wait3A_408] : memref<512x64xf32, #tpu.memory_space<vmem>> -> memref<128x64xf32, #tpu.memory_space<vmem>>
      %dma_wait3A_410 = arith.constant 0 : i32
      %dma_wait3A_411 = arith.constant 0 : i32
      %dma_wait3A_412 = tpu.memref_slice %arg4[%dma_wait3A_410, %dma_wait3A_411] : memref<819200x64xf32, #tpu.memory_space<hbm>> -> memref<128x64xf32, #tpu.memory_space<hbm>>
      tpu.wait_dma2 semaphore(%arg8 : memref<!tpu.dma_semaphore, #tpu.memory_space<semaphore_mem>>) src(%dma_wait3A_412 : memref<128x64xf32, #tpu.memory_space<hbm>>) dst(%dma_wait3A_409 : memref<128x64xf32, #tpu.memory_space<vmem>>)
      %dma_wait3A_413 = arith.constant 384 : i32
      %dma_wait3A_414 = arith.constant 0 : i32
      %dma_wait3A_415 = tpu.memref_slice %arg6[%dma_wait3A_413, %dma_wait3A_414] : memref<512x64xf32, #tpu.memory_space<vmem>> -> memref<128x64xf32, #tpu.memory_space<vmem>>
      %dma_wait3A_416 = arith.constant 0 : i32
      %dma_wait3A_417 = arith.constant 0 : i32
      %dma_wait3A_418 = tpu.memref_slice %arg4[%dma_wait3A_416, %dma_wait3A_417] : memref<819200x64xf32, #tpu.memory_space<hbm>> -> memref<128x64xf32, #tpu.memory_space<hbm>>
      %dma_wait3A_419 = arith.constant 384 : i32
      %dma_wait3A_420 = arith.constant 0 : i32
      %dma_wait3A_421 = tpu.memref_slice %arg6[%dma_wait3A_419, %dma_wait3A_420] : memref<512x64xf32, #tpu.memory_space<vmem>> -> memref<128x64xf32, #tpu.memory_space<vmem>>
      %dma_wait3A_422 = arith.constant 0 : i32
      %dma_wait3A_423 = arith.constant 0 : i32
      %dma_wait3A_424 = tpu.memref_slice %arg4[%dma_wait3A_422, %dma_wait3A_423] : memref<819200x64xf32, #tpu.memory_space<hbm>> -> memref<128x64xf32, #tpu.memory_space<hbm>>
      tpu.wait_dma2 semaphore(%arg8 : memref<!tpu.dma_semaphore, #tpu.memory_space<semaphore_mem>>) src(%dma_wait3A_424 : memref<128x64xf32, #tpu.memory_space<hbm>>) dst(%dma_wait3A_421 : memref<128x64xf32, #tpu.memory_space<vmem>>)
      %mul3A_425 = arith.constant 512 : i32
      %mul3A_426 = arith.muli %add3A_206, %mul3A_425 : i32
      %add3A_427 = arith.addi %mul3A_2, %mul3A_426 : i32
      %dma_start3A_428 = arith.constant 0 : i32
      %dma_start3A_429 = tpu.memref_slice %arg4[%add3A_427, %dma_start3A_428] : memref<819200x64xf32, #tpu.memory_space<hbm>> -> memref<512x64xf32, #tpu.memory_space<hbm>>
      %dma_start3A_430 = arith.constant 0 : i32
      %dma_start3A_431 = tpu.memref_slice %arg4[%add3A_427, %dma_start3A_430] : memref<819200x64xf32, #tpu.memory_space<hbm>> -> memref<512x64xf32, #tpu.memory_space<hbm>>
      tpu.enqueue_dma source(%arg6 : memref<512x64xf32, #tpu.memory_space<vmem>>) target(%dma_start3A_431 : memref<512x64xf32, #tpu.memory_space<hbm>>) target_semaphore(%arg10 : memref<!tpu.dma_semaphore, #tpu.memory_space<semaphore_mem>>)
    }
    %scan3A_139 = arith.constant 24 : i32
    %dma_wait3A_140 = arith.constant 0 : i32
    %dma_wait3A_141 = arith.constant 0 : i32
    %dma_wait3A_142 = tpu.memref_slice %arg7[%dma_wait3A_140, %dma_wait3A_141] : memref<512x64xf32, #tpu.memory_space<vmem>> -> memref<128x64xf32, #tpu.memory_space<vmem>>
    %dma_wait3A_143 = arith.constant 0 : i32
    %dma_wait3A_144 = arith.constant 0 : i32
    %dma_wait3A_145 = tpu.memref_slice %arg4[%dma_wait3A_143, %dma_wait3A_144] : memref<819200x64xf32, #tpu.memory_space<hbm>> -> memref<128x64xf32, #tpu.memory_space<hbm>>
    %dma_wait3A_146 = arith.constant 0 : i32
    %dma_wait3A_147 = arith.constant 0 : i32
    %dma_wait3A_148 = tpu.memref_slice %arg7[%dma_wait3A_146, %dma_wait3A_147] : memref<512x64xf32, #tpu.memory_space<vmem>> -> memref<128x64xf32, #tpu.memory_space<vmem>>
    %dma_wait3A_149 = arith.constant 0 : i32
    %dma_wait3A_150 = arith.constant 0 : i32
    %dma_wait3A_151 = tpu.memref_slice %arg4[%dma_wait3A_149, %dma_wait3A_150] : memref<819200x64xf32, #tpu.memory_space<hbm>> -> memref<128x64xf32, #tpu.memory_space<hbm>>
    tpu.wait_dma2 semaphore(%arg9 : memref<!tpu.dma_semaphore, #tpu.memory_space<semaphore_mem>>) src(%dma_wait3A_151 : memref<128x64xf32, #tpu.memory_space<hbm>>) dst(%dma_wait3A_148 : memref<128x64xf32, #tpu.memory_space<vmem>>)
    %dma_wait3A_152 = arith.constant 128 : i32
    %dma_wait3A_153 = arith.constant 0 : i32
    %dma_wait3A_154 = tpu.memref_slice %arg7[%dma_wait3A_152, %dma_wait3A_153] : memref<512x64xf32, #tpu.memory_space<vmem>> -> memref<128x64xf32, #tpu.memory_space<vmem>>
    %dma_wait3A_155 = arith.constant 0 : i32
    %dma_wait3A_156 = arith.constant 0 : i32
    %dma_wait3A_157 = tpu.memref_slice %arg4[%dma_wait3A_155, %dma_wait3A_156] : memref<819200x64xf32, #tpu.memory_space<hbm>> -> memref<128x64xf32, #tpu.memory_space<hbm>>
    %dma_wait3A_158 = arith.constant 128 : i32
    %dma_wait3A_159 = arith.constant 0 : i32
    %dma_wait3A_160 = tpu.memref_slice %arg7[%dma_wait3A_158, %dma_wait3A_159] : memref<512x64xf32, #tpu.memory_space<vmem>> -> memref<128x64xf32, #tpu.memory_space<vmem>>
    %dma_wait3A_161 = arith.constant 0 : i32
    %dma_wait3A_162 = arith.constant 0 : i32
    %dma_wait3A_163 = tpu.memref_slice %arg4[%dma_wait3A_161, %dma_wait3A_162] : memref<819200x64xf32, #tpu.memory_space<hbm>> -> memref<128x64xf32, #tpu.memory_space<hbm>>
    tpu.wait_dma2 semaphore(%arg9 : memref<!tpu.dma_semaphore, #tpu.memory_space<semaphore_mem>>) src(%dma_wait3A_163 : memref<128x64xf32, #tpu.memory_space<hbm>>) dst(%dma_wait3A_160 : memref<128x64xf32, #tpu.memory_space<vmem>>)
    %dma_wait3A_164 = arith.constant 256 : i32
    %dma_wait3A_165 = arith.constant 0 : i32
    %dma_wait3A_166 = tpu.memref_slice %arg7[%dma_wait3A_164, %dma_wait3A_165] : memref<512x64xf32, #tpu.memory_space<vmem>> -> memref<128x64xf32, #tpu.memory_space<vmem>>
    %dma_wait3A_167 = arith.constant 0 : i32
    %dma_wait3A_168 = arith.constant 0 : i32
    %dma_wait3A_169 = tpu.memref_slice %arg4[%dma_wait3A_167, %dma_wait3A_168] : memref<819200x64xf32, #tpu.memory_space<hbm>> -> memref<128x64xf32, #tpu.memory_space<hbm>>
    %dma_wait3A_170 = arith.constant 256 : i32
    %dma_wait3A_171 = arith.constant 0 : i32
    %dma_wait3A_172 = tpu.memref_slice %arg7[%dma_wait3A_170, %dma_wait3A_171] : memref<512x64xf32, #tpu.memory_space<vmem>> -> memref<128x64xf32, #tpu.memory_space<vmem>>
    %dma_wait3A_173 = arith.constant 0 : i32
    %dma_wait3A_174 = arith.constant 0 : i32
    %dma_wait3A_175 = tpu.memref_slice %arg4[%dma_wait3A_173, %dma_wait3A_174] : memref<819200x64xf32, #tpu.memory_space<hbm>> -> memref<128x64xf32, #tpu.memory_space<hbm>>
    tpu.wait_dma2 semaphore(%arg9 : memref<!tpu.dma_semaphore, #tpu.memory_space<semaphore_mem>>) src(%dma_wait3A_175 : memref<128x64xf32, #tpu.memory_space<hbm>>) dst(%dma_wait3A_172 : memref<128x64xf32, #tpu.memory_space<vmem>>)
    %dma_wait3A_176 = arith.constant 384 : i32
    %dma_wait3A_177 = arith.constant 0 : i32
    %dma_wait3A_178 = tpu.memref_slice %arg7[%dma_wait3A_176, %dma_wait3A_177] : memref<512x64xf32, #tpu.memory_space<vmem>> -> memref<128x64xf32, #tpu.memory_space<vmem>>
    %dma_wait3A_179 = arith.constant 0 : i32
    %dma_wait3A_180 = arith.constant 0 : i32
    %dma_wait3A_181 = tpu.memref_slice %arg4[%dma_wait3A_179, %dma_wait3A_180] : memref<819200x64xf32, #tpu.memory_space<hbm>> -> memref<128x64xf32, #tpu.memory_space<hbm>>
    %dma_wait3A_182 = arith.constant 384 : i32
    %dma_wait3A_183 = arith.constant 0 : i32
    %dma_wait3A_184 = tpu.memref_slice %arg7[%dma_wait3A_182, %dma_wait3A_183] : memref<512x64xf32, #tpu.memory_space<vmem>> -> memref<128x64xf32, #tpu.memory_space<vmem>>
    %dma_wait3A_185 = arith.constant 0 : i32
    %dma_wait3A_186 = arith.constant 0 : i32
    %dma_wait3A_187 = tpu.memref_slice %arg4[%dma_wait3A_185, %dma_wait3A_186] : memref<819200x64xf32, #tpu.memory_space<hbm>> -> memref<128x64xf32, #tpu.memory_space<hbm>>
    tpu.wait_dma2 semaphore(%arg9 : memref<!tpu.dma_semaphore, #tpu.memory_space<semaphore_mem>>) src(%dma_wait3A_187 : memref<128x64xf32, #tpu.memory_space<hbm>>) dst(%dma_wait3A_184 : memref<128x64xf32, #tpu.memory_space<vmem>>)
    %add3A_188 = arith.constant 25088 : i32
    %add3A_189 = arith.addi %mul3A_2, %add3A_188 : i32
    %dma_start3A_190 = arith.constant 0 : i32
    %dma_start3A_191 = tpu.memref_slice %arg4[%add3A_189, %dma_start3A_190] : memref<819200x64xf32, #tpu.memory_space<hbm>> -> memref<512x64xf32, #tpu.memory_space<hbm>>
    %dma_start3A_192 = arith.constant 0 : i32
    %dma_start3A_193 = tpu.memref_slice %arg4[%add3A_189, %dma_start3A_192] : memref<819200x64xf32, #tpu.memory_space<hbm>> -> memref<512x64xf32, #tpu.memory_space<hbm>>
    tpu.enqueue_dma source(%arg7 : memref<512x64xf32, #tpu.memory_space<vmem>>) target(%dma_start3A_193 : memref<512x64xf32, #tpu.memory_space<hbm>>) target_semaphore(%arg11 : memref<!tpu.dma_semaphore, #tpu.memory_space<semaphore_mem>>)
    %dma_wait3A_194 = arith.constant 0 : i32
    %dma_wait3A_195 = tpu.memref_slice %arg4[%mul3A_2, %dma_wait3A_194] : memref<819200x64xf32, #tpu.memory_space<hbm>> -> memref<512x64xf32, #tpu.memory_space<hbm>>
    %dma_wait3A_196 = arith.constant 0 : i32
    %dma_wait3A_197 = tpu.memref_slice %arg4[%mul3A_2, %dma_wait3A_196] : memref<819200x64xf32, #tpu.memory_space<hbm>> -> memref<512x64xf32, #tpu.memory_space<hbm>>
    tpu.wait_dma2 semaphore(%arg10 : memref<!tpu.dma_semaphore, #tpu.memory_space<semaphore_mem>>) src(%arg6 : memref<512x64xf32, #tpu.memory_space<vmem>>) dst(%dma_wait3A_197 : memref<512x64xf32, #tpu.memory_space<hbm>>)
    %dma_wait3A_198 = arith.constant 0 : i32
    %dma_wait3A_199 = tpu.memref_slice %arg4[%mul3A_2, %dma_wait3A_198] : memref<819200x64xf32, #tpu.memory_space<hbm>> -> memref<512x64xf32, #tpu.memory_space<hbm>>
    %dma_wait3A_200 = arith.constant 0 : i32
    %dma_wait3A_201 = tpu.memref_slice %arg4[%mul3A_2, %dma_wait3A_200] : memref<819200x64xf32, #tpu.memory_space<hbm>> -> memref<512x64xf32, #tpu.memory_space<hbm>>
    tpu.wait_dma2 semaphore(%arg11 : memref<!tpu.dma_semaphore, #tpu.memory_space<semaphore_mem>>) src(%arg7 : memref<512x64xf32, #tpu.memory_space<vmem>>) dst(%dma_wait3A_201 : memref<512x64xf32, #tpu.memory_space<hbm>>)
    return
  }
}

</mosaic_0001>

<sc_bundles>
// kernel: kernel.3.cloned.1.call-start
scs
__scs_entry_jumppad:
0x0: {  	(pc) =	sbr.rel $0x88, $3  }
0x1: {  	(tag) =	ssettag $0x0;
	lr =	simm.s32 $0x1  }
0x2: {  	[smem:$0x3F9F] =	sst lr;
	_ =	strace $0xD0000000  }
0x3: {  	_ = 	snop  }
0x4: {  	_ = 	snop  }
0x5: {  	_ = 	snop  }
0x6: {  	_ = 	snop  }
0x7: {  	_ = 	snop  }
__scs_overlays_trampoline_lowered:
0x8: {  	[smem:$0x3FAE] =	sst s0  }
0x9: {  	[smem:$0x3FAF] =	sst s1  }
0xa: {  	[smem:$0x3FB0] =	sst s2  }
0xb: {  	[smem:$0x3FB1] =	sst s3  }
0xc: {  	[smem:$0x3FB2] =	sst s4  }
0xd: {  	[smem:$0x3FB3] =	sst s5  }
0xe: {  	[smem:$0x3FB4] =	sst s6  }
0xf: {  	[smem:$0x3FB5] =	sst s7  }
0x10: {  	[smem:$0x3FB6] =	sst s8  }
0x11: {  	[smem:$0x3FB7] =	sst s9;
	s0 =	simm.s32 @!p0 $0x0  }
0x12: {  	s1 =	sld [smem:$0x3F9D];
	s0 =	simm.s32 @p0 $0x1  }
0x13: {  	[smem:$0x3FB8] =	sst s0;
	s0 =	simm.s32 @!p1 $0x0  }
0x14: {  	s2 =	sld [smem:$0x3F9C];
	s0 =	simm.s32 @p1 $0x1  }
0x15: {  	[smem:$0x3FB9] =	sst s0;
	s0 =	simm.s32 @!p2 $0x0  }
0x16: {  	s3 =	sld [smem:$0x3FDB];
	s0 =	simm.s32 @p2 $0x1  }
0x17: {  	s4 =	simm.s32 $0x1BF5;
	[smem:$0x3FBB] =	sst s0  }
0x18: {  	s0 =	sld [smem:$0x3F9E];
	_ =	swait.ge [sflag:s4], $0x0  }
0x19: {  	s7 =	sld [smem:$0x3F9F]  }
0x1a: {  	s8 =	sadd.s32 $0xFFFFE003, lr  }
0x1b: {  	s9 =	sadd.s32 $0xFFFFFEF7, lr;
	s5 =	simm.s32 $0xFFFFFFFF;
	p2 =	slt.u32 s8, $0xFFFFF086  }
0x1c: {  	p1 =	slt.u32 s9, $0xF7A;
	s5 =	simm.s32 @!p2 $0x0  }
0x1d: {  	s5 =	simm.s32 @p1 $0x1;
	p0 =	seq.s32 s7, s2  }
0x1e: {  	s7 =	smul.u32 @!p0 $0xF7A, s2;
	p2 =	seq.s32 @!p0 s5, $0x0  }
0x1f: {  	s9 =	smul.u32 $0xF7A, s1;
	s8 =	simm.s32 @!p0 $0x1BF5;
	p2 =	por !p2, p0  }
0x20: {  	[sflag:s8] =	ssyncset.s32 @!p0 $0xFFFFF086;
	s6 =	sadd.s32 @!p0 s3, s7;
	s7 =	simm.s32 @!p0 $0x108  }
0x21: {  	s3 =	sadd.s32 s3, s9;
	s6 =	sadd.s32 @!p0 $0x88, s6;
	s7 =	simm.s32 @p2 $0x1082  }
0x22: {  	[simem:s7], [sflag:s8] =	dma.local @!p0 [hbm:s6], $0xF7A  }
0x23: {  	s9 =	sor.u32 $0xD0000000, s2;
	s6 =	simm.s32 $0x108;
	_ =	swait.ge @!p0 [sflag:s8], $0x0  }
0x24: {  	s3 =	sadd.s32 $0x88, s3;
	s6 =	simm.s32 @!p1 $0x1082;
	[sflag:s4] =	ssyncset.s32 $0xFFFFF086  }
0x25: {  	[simem:s6], [sflag:s4] =	dma.local [hbm:s3], $0xF7A  }
0x26: {  	[smem:$0x3F9F] =	sst s1;
	(tag) =	ssettag s2;
	_ =	strace s9  }
0x27: {  	s1 =	sld [smem:$0x3FAF]  }
0x28: {  	s2 =	sld [smem:$0x3FB0]  }
0x29: {  	s4 =	sld [smem:$0x3FB2]  }
0x2a: {  	p0 =	seq.s32 s5, $0x0;
	s5 =	sld [smem:$0x3FB3]  }
0x2b: {  	s6 =	sld [smem:$0x3FB4]  }
0x2c: {  	s7 =	sld [smem:$0x3FB5]  }
0x2d: {  	s3 =	simm.s32 $0x108;
	s8 =	sld [smem:$0x3FB6]  }
0x2e: {  	s3 =	simm.s32 @!p0 $0x1082;
	s9 =	sld [smem:$0x3FB7]  }
0x2f: {  	lr =	sadd.s32 s0, s3;
	s0 =	sld [smem:$0x3FAE]  }
0x30: {  	s3 =	sld [smem:$0x3FB1]  }
0x31: {  	[smem:$0x3FBA] =	sst s10  }
0x32: {  	s10 =	sld [smem:$0x3FB8];
	_ =	sdelay $0x3  }
0x33: {  	p0 =	seq.s32 s10, $0x1;
	s10 =	sld [smem:$0x3FBA];
	_ =	sdelay $0x3  }
0x34: {  	[smem:$0x3FBA] =	sst s10  }
0x35: {  	s10 =	sld [smem:$0x3FB9];
	_ =	sdelay $0x3  }
0x36: {  	p1 =	seq.s32 s10, $0x1;
	s10 =	sld [smem:$0x3FBA];
	_ =	sdelay $0x3  }
0x37: {  	[smem:$0x3FBA] =	sst s10  }
0x38: {  	s10 =	sld [smem:$0x3FBB]  }
0x39: {  	_ = 	snop;
	(pc) =	sbr.ind lr, $3  }
0x3a: {  	_ = 	snop  }
0x3b: {  	_ = 	snop  }
0x3c: {  	p2 =	seq.s32 s10, $0x1;
	s10 =	sld [smem:$0x3FBA]  }
0x3d: {  	_ =	shalt  }
0x3e: {  	_ =	shalt  }
0x3f: {  	_ =	shalt  }
0x40: {  	_ =	shalt  }
0x41: {  	_ =	shalt  }
0x42: {  	_ =	shalt  }
0x43: {  	_ =	shalt  }
0x44: {  	_ =	shalt  }
0x45: {  	_ =	shalt  }
0x46: {  	_ =	shalt  }
0x47: {  	_ =	shalt  }
0x48: {  	_ =	shalt  }
0x49: {  	_ =	shalt  }
0x4a: {  	_ =	shalt  }
0x4b: {  	_ =	shalt  }
0x4c: {  	_ =	shalt  }
0x4d: {  	_ =	shalt  }
0x4e: {  	_ =	shalt  }
0x4f: {  	_ =	shalt  }
0x50: {  	_ =	shalt  }
0x51: {  	_ =	shalt  }
0x52: {  	_ =	shalt  }
0x53: {  	_ =	shalt  }
0x54: {  	_ =	shalt  }
0x55: {  	_ =	shalt  }
0x56: {  	_ =	shalt  }
0x57: {  	_ =	shalt  }
0x58: {  	_ =	shalt  }
0x59: {  	_ =	shalt  }
0x5a: {  	_ =	shalt  }
0x5b: {  	_ =	shalt  }
0x5c: {  	_ =	shalt  }
0x5d: {  	_ =	shalt  }
0x5e: {  	_ =	shalt  }
0x5f: {  	_ =	shalt  }
0x60: {  	_ =	shalt  }
0x61: {  	_ =	shalt  }
0x62: {  	_ =	shalt  }
0x63: {  	_ =	shalt  }
0x64: {  	_ =	shalt  }
0x65: {  	_ =	shalt  }
0x66: {  	_ =	shalt  }
0x67: {  	_ =	shalt  }
0x68: {  	_ =	shalt  }
0x69: {  	_ =	shalt  }
0x6a: {  	_ =	shalt  }
0x6b: {  	_ =	shalt  }
0x6c: {  	_ =	shalt  }
0x6d: {  	_ =	shalt  }
0x6e: {  	_ =	shalt  }
0x6f: {  	_ =	shalt  }
0x70: {  	_ =	shalt  }
0x71: {  	_ =	shalt  }
0x72: {  	_ =	shalt  }
0x73: {  	_ =	shalt  }
0x74: {  	_ =	shalt  }
0x75: {  	_ =	shalt  }
0x76: {  	_ =	shalt  }
0x77: {  	_ =	shalt  }
0x78: {  	_ =	shalt  }
0x79: {  	_ =	shalt  }
0x7a: {  	_ =	shalt  }
0x7b: {  	_ =	shalt  }
0x7c: {  	_ =	shalt  }
0x7d: {  	_ =	shalt  }
0x7e: {  	_ =	shalt  }
0x7f: {  	_ =	shalt  }
0x80: {  	_ =	shalt  }
0x81: {  	_ =	shalt  }
0x82: {  	_ =	shalt  }
0x83: {  	_ =	shalt  }
0x84: {  	_ =	shalt  }
0x85: {  	_ =	shalt  }
0x86: {  	_ =	shalt  }
0x87: {  	_ =	shalt  }
.Lfunc_end0:
.L_simem_size_0:
called_computation.1_lowered:
.L_overlay_start_0:
0x88: {  	s2 =	sld [smem:$0x3FD9]  }
0x89: {  	s3 =	sld [smem:$0x3FFE];
	_ =	sdelay $0x1  }
0x8a: {  	s1 =	srdreg.scid  }
0x8b: {  	s0 =	sand.u32 $0x1, s1  }
0x8c: {  	s17 =	sshll.u32 s0, $0xA;
	s2 =	sadd.s32 s3, s2  }
0x8d: {  	s2 =	sadd.s32 s2, s17  }
0x8e: {  	[smem:$0x3FC6] =	sst s2  }
0x8f: {  	_ = 	snop  }
0x90: {  	s2 =	sld [smem:$0x3FD0];
	(tm) =	ssettm $0x1  }
0x91: {  	s18 =	sld [smem:$0x3FFB];
	_ =	sdelay $0x3  }
0x92: {  	_ =	strace s18  }
0x93: {  	s3 =	sld [smem:$0x3FFC];
	_ =	sdelay $0x3  }
0x94: {  	_ =	strace s3  }
0x95: {  	s3 =	sld [smem:$0x3FFD];
	_ =	sdelay $0x3  }
0x96: {  	_ =	strace s3  }
0x97: {  	_ =	strace $0x8FFFFFFF  }
0x98: {  	s19 =	sld [smem:$0x3FDB];
	_ =	sdelay $0x1  }
0x99: {  	s4 =	simm.s32 $_scs_section_size  }
0x9a: {  	s5 =	simm.s32 $_size__tile_overlayer_lowered;
	s6 =	simm.s32 $_tile_overlayer_lowered  }
0x9b: {  	s22 =	simm.s32 $0x1BFF;
	s21 =	sshll.u32 s6, $0x1;
	s3 =	sadd.s32 s4, s19  }
0x9c: {  	s7 =	simm.s32 $0x0;
	s20 =	sshll.u32 s5, $0x1;
	s5 =	sadd.s32 s21, s3  }
0x9d: {  	[timem:s7], [sflag:s22] =	dma.local [hbm:s5], s20  }
0x9e: {  	_ =	swait.ge [sflag:s22], s20  }
0x9f: {  	s4 =	ssub.s32 $0x0, s20;
	[sflag:s22] =	ssyncset.done $0x0  }
0xa0: {  	[sflag:s22] =	ssyncadd.s32 s4;
	_ =	sdelay $0x1  }
0xa1: {  	s23 =	simm.s32 $0x1B8B  }
0xa2: {  	_ =	swait.ge [sflag:s23], $0x1  }
0xa3: {  	[sflag:s23] =	ssyncset.done $0x0  }
0xa4: {  	s25 =	simm.s32 $0x1B8E;
	s24 =	sld [smem:$0x3FFE];
	[sflag:s23] =	ssyncadd.s32 $0xFFFFFFFF  }
0xa5: {  	s26 =	simm.s32 $execute0_lowered;
	[smem:$0x3FD2] =	sst s25  }
0xa6: {  	s5 =	sshll.u32 s26, $0x1;
	_ =	strace $0x80000046;
	[dreg:$0x1] =	wrdreg $0xFFFFFFFF  }
0xa7: {  	s28 =	simm.s32 $_size_execute0_lowered;
	s3 =	sadd.s32 s3, s5;
	[dreg:$0x0] =	wrdreg $0x0  }
0xa8: {  	s5 =	sshll.u32 s28, $0x1;
	[dreg:$0x2] =	wrdreg s3  }
0xa9: {  	[dreg:$0x3] =	wrdreg s5  }
0xaa: {  	[dreg:$0x4] =	wrdreg $0xC0  }
0xab: {  	_ =	task [dreg:s7], $0x5FFFF  }
0xac: {  	[dreg:$0x1] =	wrdreg $0xFFFFFFFF  }
0xad: {  	[dreg:$0x0] =	wrdreg $0x60  }
0xae: {  	[dreg:$0x2] =	wrdreg s24  }
0xaf: {  	[dreg:$0x3] =	wrdreg s2  }
0xb0: {  	[dreg:$0x4] =	wrdreg $0x9  }
0xb1: {  	_ =	task.clear_ibuf [dreg:s7], $0x5FFFF;
	_ =	strace $0x90000046  }
0xb2: {  	s29 =	simm.s32 $0x9;
	_ =	strace $0x80000048  }
0xb3: {  	_ =	swait.ge [sflag:s29], $0x1  }
0xb4: {  	[sflag:s29] =	ssyncadd.s32 $0xFFFFFFFF  }
0xb5: {  	_ =	strace $0x90000048  }
0xb6: {  	_ =	sfence  }
0xb7: {  	s30 =	sld [smem:$0x0];
	_ =	sdelay $0x2  }
0xb8: {  	s31 =	sshll.u32 s1, $0xD;
	s1 =	sshrl.u32 s1, $0x2  }
0xb9: {  	s3 =	sand.u32 $0x4000, s31;
	s1 =	sadd.s32 s1, s30  }
0xba: {  	s0 =	sor.u32 s3, s0;
	s1 =	sshll.u32 s1, $0x11  }
0xbb: {  	s0 =	sor.u32 s1, s0  }
0xbc: {  	s0 =	sadd.s32 $0x8F2B, s0  }
0xbd: {  	[sflag:s0] =	ssyncadd.remote.s32 $0x1  }
0xbe: {  	_ =	sfence.sel $0xFFFF  }
0xbf: {  	[dreg:$0x0] =	wrdreg $0xFFFFFFFF;
	(pc) =	sbr.abs _section_cstart, $3  }
0xc0: {  	[dreg:$0x1] =	wrdreg $0xFFFFFFFF  }
0xc1: {  	_ =	task.clear_ibuf [dreg:s7], $0x2FFFF;
	_ =	strace $0x9FFFFFFF  }
0xc2: {  	(tm) =	ssettm $0x7FFFFFFF  }
0xc3: {  	_ =	shalt  }
tec
execute0_lowered:
.L_overlay_start_1:
0x0: {  	(tag) =	ssettag $0x1  }
0x1: {  	s0 =	srdreg.scid;
	s4 =	rddreg [dreg:$0x0]  }
0x2: {  	s11 =	stileid.u32;
	s2 =	rddreg [dreg:$0x1];
	s3 =	simm.s32 $0x0  }
0x3: {  	s12 =	simm.s32 $0x80;
	s13 =	simm.s32 $0x6400;
	s14 =	simm.s32 $0x8400  }
0x4: {  	s16 =	simm.s32 $0xA400;
	s18 =	simm.s32 $0xC400;
	s20 =	simm.s32 $0xE400  }
0x5: {  	s22 =	simm.s32 $0x10400;
	s23 =	simm.s32 $0x300;
	s24 =	simm.s32 $0x12400  }
0x6: {  	s25 =	simm.s32 $0x380;
	s28 =	simm.s32 $0x1;
	s8 =	smul.u32 $0x64000, s11  }
0x7: {  	s0 =	sand.u32 $0x1, s0;
	s1 =	sshll.u32 s11, $0x1;
	s11 =	smul.u32 $0x320000, s11  }
0x8: {  	s29 =	simm.s32 $0x3;
	s30 =	simm.s32 $0x2;
	s10 =	smul.u32 $0x32000, s0  }
0x9: {  	s1 =	sor.u32 s0, s1;
	s7 =	ssub.s32 $0x2, s0;
	s0 =	smul.u32 $0x190000, s0  }
0xa: {  	s31 =	simm.s32 $0x4;
	[smem:$0x7FF] =	sst s3;
	s5 =	smul.u32 $0xC80, s1  }
0xb: {  	_ =	strace $0x80000047;
	s6 =	smul.u32 $0x32000, s1;
	s9 =	sshrl.u32 s7, $0x1  }
0xc: {  	s1 =	smul.u32 $0x190000, s1;
	s8 =	sadd.s32 s8, s2;
	s9 =	ssub.s32 s7, s9  }
0xd: {  	s26 =	sadd.s32 s10, s8;
	s0 =	sadd.s32 s0, s11;
	s11 =	simm.s32 $0x5  }
0xe: {  	s5 =	sadd.s32 s5, s4;
	s4 =	sadd.s32 $0xF43000, s4;
	s1 =	sshrl.u32 s1, $0x3  }
0xf: {  	s6 =	sadd.s32 s2, s6;
	s8 =	smax.u32 s9, $0x1;
	s9 =	sadd.s32 $0x1000, s26  }
0x10: {  	s10 =	sadd.s32 $0x10000, s0;
	s26 =	simm.s32 $0x14400;
	s1 =	sadd.s32 s2, s1  }
0x11: {  	s5 =	sadd.s32 $0xA00, s5;
	s7 =	sadd.s32 $0x31000, s1;
	s1 =	simm.s32 $0x0  }
.LBB2_1:
0x12: {  	[tilespmem:s3], [sflag:$0x5] =	stream.linear.gather [hbm4b:s5+s3], $0x6400, $0x38;
	[tilespmem:$0x16400] =	vst v63  }
0x13: {  	_ =	swait.ge [sflag:s11], $0x6400  }
0x14: {  	[sflag:s11] =	ssyncset.done $0x0  }
0x15: {  	[sflag:s11] =	ssyncadd.s32 $0xFFFF9C00  }
0x16: {  	[tilespmem:s13], [sflag:$0x1] =	stream.indirect.gather [hbm4b:s4+s12], $0x40, s3, s12, $0xb8;
	[tilespmem:$0x16400] =	vst v63  }
0x17: {  	_ = 	snop  }
0x18: {  	[tilespmem:s14], [sflag:$0x1] =	stream.indirect.gather [hbm4b:s4+s12], $0x40, s12, s12, $0xb8;
	[tilespmem:$0x16400] =	vst v63  }
0x19: {  	s0 =	simm.s32 $0x100  }
0x1a: {  	[tilespmem:s16], [sflag:$0x1] =	stream.indirect.gather [hbm4b:s4+s12], $0x40, s0, s12, $0xb8;
	[tilespmem:$0x16400] =	vst v63  }
0x1b: {  	s17 =	simm.s32 $0x180  }
0x1c: {  	[tilespmem:s18], [sflag:$0x1] =	stream.indirect.gather [hbm4b:s4+s12], $0x40, s17, s12, $0xb8;
	[tilespmem:$0x16400] =	vst v63  }
0x1d: {  	s19 =	simm.s32 $0x200  }
0x1e: {  	[tilespmem:s20], [sflag:$0x2] =	stream.indirect.gather [hbm4b:s4+s12], $0x40, s19, s12, $0xb8;
	[tilespmem:$0x16400] =	vst v63  }
0x1f: {  	s21 =	simm.s32 $0x280  }
0x20: {  	[tilespmem:s22], [sflag:$0x2] =	stream.indirect.gather [hbm4b:s4+s12], $0x40, s21, s12, $0xb8;
	[tilespmem:$0x16400] =	vst v63  }
0x21: {  	_ = 	snop  }
0x22: {  	[tilespmem:s24], [sflag:$0x2] =	stream.indirect.gather [hbm4b:s4+s12], $0x40, s23, s12, $0xb8;
	[tilespmem:$0x16400] =	vst v63  }
0x23: {  	_ = 	snop  }
0x24: {  	[tilespmem:s26], [sflag:$0x2] =	stream.indirect.gather [hbm4b:s4+s12], $0x40, s25, s12, $0xb8;
	[tilespmem:$0x16400] =	vst v63  }
0x25: {  	_ =	swait.ge [sflag:s28], $0x2000  }
0x26: {  	[sflag:s28] =	ssyncset.done $0x0  }
0x27: {  	[sflag:s28] =	ssyncadd.s32 $0xFFFFE000  }
0x28: {  	_ =	swait.ge [sflag:s28], $0x2000  }
0x29: {  	[sflag:s28] =	ssyncset.done $0x0  }
0x2a: {  	[sflag:s28] =	ssyncadd.s32 $0xFFFFE000  }
0x2b: {  	_ =	swait.ge [sflag:s28], $0x2000  }
0x2c: {  	[sflag:s28] =	ssyncset.done $0x0  }
0x2d: {  	[sflag:s28] =	ssyncadd.s32 $0xFFFFE000  }
0x2e: {  	_ =	swait.ge [sflag:s28], $0x2000  }
0x2f: {  	[sflag:s28] =	ssyncset.done $0x0  }
0x30: {  	[sflag:s28] =	ssyncadd.s32 $0xFFFFE000  }
0x31: {  	[hbm4b:s6+s3] =	stream.linear.scatter [tilespmem:s13], [sflag:$0x3], $0x8000, $0x38;
	[tilespmem:$0x16400] =	vst v63  }
0x32: {  	_ =	swait.ge [sflag:s29], $0x8000  }
0x33: {  	[sflag:s29] =	ssyncset.done $0x0  }
0x34: {  	s15 =	simm.s32 $0x400;
	[sflag:s29] =	ssyncadd.s32 $0xFFFF8000  }
0x35: {  	[tilespmem:s13], [sflag:$0x1] =	stream.indirect.gather [hbm4b:s4+s12], $0x40, s15, s12, $0xb8;
	[tilespmem:$0x16400] =	vst v63  }
0x36: {  	s17 =	simm.s32 $0x480  }
0x37: {  	[tilespmem:s14], [sflag:$0x1] =	stream.indirect.gather [hbm4b:s4+s12], $0x40, s17, s12, $0xb8;
	[tilespmem:$0x16400] =	vst v63  }
0x38: {  	s19 =	simm.s32 $0x500  }
0x39: {  	[tilespmem:s16], [sflag:$0x1] =	stream.indirect.gather [hbm4b:s4+s12], $0x40, s19, s12, $0xb8;
	[tilespmem:$0x16400] =	vst v63  }
0x3a: {  	s21 =	simm.s32 $0x580  }
0x3b: {  	[tilespmem:s18], [sflag:$0x1] =	stream.indirect.gather [hbm4b:s4+s12], $0x40, s21, s12, $0xb8;
	[tilespmem:$0x16400] =	vst v63  }
0x3c: {  	_ =	swait.ge [sflag:s30], $0x2000  }
0x3d: {  	[sflag:s30] =	ssyncset.done $0x0  }
0x3e: {  	[sflag:s30] =	ssyncadd.s32 $0xFFFFE000  }
0x3f: {  	_ =	swait.ge [sflag:s30], $0x2000  }
0x40: {  	[sflag:s30] =	ssyncset.done $0x0  }
0x41: {  	[sflag:s30] =	ssyncadd.s32 $0xFFFFE000  }
0x42: {  	_ =	swait.ge [sflag:s30], $0x2000  }
0x43: {  	[sflag:s30] =	ssyncset.done $0x0  }
0x44: {  	[sflag:s30] =	ssyncadd.s32 $0xFFFFE000  }
0x45: {  	_ =	swait.ge [sflag:s30], $0x2000  }
0x46: {  	[sflag:s30] =	ssyncset.done $0x0  }
0x47: {  	[sflag:s30] =	ssyncadd.s32 $0xFFFFE000  }
0x48: {  	[hbm4b:s9+s3] =	stream.linear.scatter [tilespmem:s20], [sflag:$0x4], $0x8000, $0x38;
	[tilespmem:$0x16400] =	vst v63  }
0x49: {  	_ =	swait.ge [sflag:s31], $0x8000  }
0x4a: {  	[sflag:s31] =	ssyncset.done $0x0  }
0x4b: {  	s15 =	simm.s32 $0x600;
	[sflag:s31] =	ssyncadd.s32 $0xFFFF8000  }
0x4c: {  	[tilespmem:s20], [sflag:$0x2] =	stream.indirect.gather [hbm4b:s4+s12], $0x40, s15, s12, $0xb8;
	[tilespmem:$0x16400] =	vst v63  }
0x4d: {  	s17 =	simm.s32 $0x680  }
0x4e: {  	[tilespmem:s22], [sflag:$0x2] =	stream.indirect.gather [hbm4b:s4+s12], $0x40, s17, s12, $0xb8;
	[tilespmem:$0x16400] =	vst v63  }
0x4f: {  	s19 =	simm.s32 $0x700  }
0x50: {  	[tilespmem:s24], [sflag:$0x2] =	stream.indirect.gather [hbm4b:s4+s12], $0x40, s19, s12, $0xb8;
	[tilespmem:$0x16400] =	vst v63  }
0x51: {  	s21 =	simm.s32 $0x780  }
0x52: {  	[tilespmem:s26], [sflag:$0x2] =	stream.indirect.gather [hbm4b:s4+s12], $0x40, s21, s12, $0xb8;
	[tilespmem:$0x16400] =	vst v63  }
0x53: {  	_ =	swait.ge [sflag:s28], $0x2000  }
0x54: {  	[sflag:s28] =	ssyncset.done $0x0  }
0x55: {  	[sflag:s28] =	ssyncadd.s32 $0xFFFFE000  }
0x56: {  	_ =	swait.ge [sflag:s28], $0x2000  }
0x57: {  	[sflag:s28] =	ssyncset.done $0x0  }
0x58: {  	[sflag:s28] =	ssyncadd.s32 $0xFFFFE000  }
0x59: {  	_ =	swait.ge [sflag:s28], $0x2000  }
0x5a: {  	[sflag:s28] =	ssyncset.done $0x0  }
0x5b: {  	[sflag:s28] =	ssyncadd.s32 $0xFFFFE000  }
0x5c: {  	s0 =	simm.s32 $0x1000;
	_ =	swait.ge [sflag:s28], $0x2000  }
0x5d: {  	s15 =	sadd.s32 $0x10000, s10;
	s17 =	sshrl.u32 s10, $0x3;
	[sflag:s28] =	ssyncset.done $0x0  }
0x5e: {  	s19 =	sadd.s32 s2, s17;
	s17 =	sadd.s32 $0x2000, s9;
	[sflag:s28] =	ssyncadd.s32 $0xFFFFE000  }
.LBB2_2:
0x5f: {  	[hbm4b:s19+s3] =	stream.linear.scatter [tilespmem:s13], [sflag:$0x3], $0x8000, $0x38;
	[tilespmem:$0x16400] =	vst v63  }
0x60: {  	s19 =	smov.u32 s0  }
0x61: {  	p0 =	sne.s32 s0, $0x17000;
	s0 =	sadd.s32 $0x1000, s0;
	_ =	swait.ge [sflag:s29], $0x8000  }
0x62: {  	s19 =	sshra.s32 s19, $0x2;
	[sflag:s29] =	ssyncset.done $0x0  }
0x63: {  	s21 =	sadd.s32 $0x400, s19;
	[sflag:s29] =	ssyncadd.s32 $0xFFFF8000  }
0x64: {  	[tilespmem:s13], [sflag:$0x1] =	stream.indirect.gather [hbm4b:s4+s12], $0x40, s21, s12, $0xb8;
	[tilespmem:$0x16400] =	vst v63  }
0x65: {  	s21 =	sadd.s32 $0x480, s19  }
0x66: {  	[tilespmem:s14], [sflag:$0x1] =	stream.indirect.gather [hbm4b:s4+s12], $0x40, s21, s12, $0xb8;
	[tilespmem:$0x16400] =	vst v63  }
0x67: {  	s21 =	sadd.s32 $0x500, s19  }
0x68: {  	[tilespmem:s16], [sflag:$0x1] =	stream.indirect.gather [hbm4b:s4+s12], $0x40, s21, s12, $0xb8;
	[tilespmem:$0x16400] =	vst v63  }
0x69: {  	s21 =	sadd.s32 $0x580, s19  }
0x6a: {  	[tilespmem:s18], [sflag:$0x1] =	stream.indirect.gather [hbm4b:s4+s12], $0x40, s21, s12, $0xb8;
	[tilespmem:$0x16400] =	vst v63  }
0x6b: {  	_ =	swait.ge [sflag:s30], $0x2000  }
0x6c: {  	[sflag:s30] =	ssyncset.done $0x0  }
0x6d: {  	[sflag:s30] =	ssyncadd.s32 $0xFFFFE000  }
0x6e: {  	_ =	swait.ge [sflag:s30], $0x2000  }
0x6f: {  	[sflag:s30] =	ssyncset.done $0x0  }
0x70: {  	[sflag:s30] =	ssyncadd.s32 $0xFFFFE000  }
0x71: {  	_ =	swait.ge [sflag:s30], $0x2000  }
0x72: {  	[sflag:s30] =	ssyncset.done $0x0  }
0x73: {  	[sflag:s30] =	ssyncadd.s32 $0xFFFFE000  }
0x74: {  	_ =	swait.ge [sflag:s30], $0x2000  }
0x75: {  	[sflag:s30] =	ssyncset.done $0x0  }
0x76: {  	[sflag:s30] =	ssyncadd.s32 $0xFFFFE000  }
0x77: {  	[hbm4b:s17+s3] =	stream.linear.scatter [tilespmem:s20], [sflag:$0x4], $0x8000, $0x38;
	[tilespmem:$0x16400] =	vst v63  }
0x78: {  	_ =	swait.ge [sflag:s31], $0x8000  }
0x79: {  	[sflag:s31] =	ssyncset.done $0x0  }
0x7a: {  	s21 =	sadd.s32 $0x600, s19;
	[sflag:s31] =	ssyncadd.s32 $0xFFFF8000  }
0x7b: {  	[tilespmem:s20], [sflag:$0x2] =	stream.indirect.gather [hbm4b:s4+s12], $0x40, s21, s12, $0xb8;
	[tilespmem:$0x16400] =	vst v63  }
0x7c: {  	s21 =	sadd.s32 $0x680, s19  }
0x7d: {  	[tilespmem:s22], [sflag:$0x2] =	stream.indirect.gather [hbm4b:s4+s12], $0x40, s21, s12, $0xb8;
	[tilespmem:$0x16400] =	vst v63  }
0x7e: {  	s21 =	sadd.s32 $0x700, s19  }
0x7f: {  	[tilespmem:s24], [sflag:$0x2] =	stream.indirect.gather [hbm4b:s4+s12], $0x40, s21, s12, $0xb8;
	[tilespmem:$0x16400] =	vst v63  }
0x80: {  	s19 =	sadd.s32 $0x780, s19  }
0x81: {  	[tilespmem:s26], [sflag:$0x2] =	stream.indirect.gather [hbm4b:s4+s12], $0x40, s19, s12, $0xb8;
	[tilespmem:$0x16400] =	vst v63  }
0x82: {  	_ =	swait.ge [sflag:s28], $0x2000  }
0x83: {  	[sflag:s28] =	ssyncset.done $0x0  }
0x84: {  	[sflag:s28] =	ssyncadd.s32 $0xFFFFE000  }
0x85: {  	_ =	swait.ge [sflag:s28], $0x2000  }
0x86: {  	[sflag:s28] =	ssyncset.done $0x0  }
0x87: {  	[sflag:s28] =	ssyncadd.s32 $0xFFFFE000  }
0x88: {  	_ =	swait.ge [sflag:s28], $0x2000  }
.Ltmp0:
0x89: {  	[sflag:s28] =	ssyncset.done $0x0;
	(pc) =	sbr.rel @p0 .LBB2_2-.Ltmp0, $4  }
0x8a: {  	[sflag:s28] =	ssyncadd.s32 $0xFFFFE000  }
0x8b: {  	_ =	swait.ge [sflag:s28], $0x2000  }
0x8c: {  	s19 =	sshrl.u32 s15, $0x3;
	s15 =	sadd.s32 $0x10000, s15;
	[sflag:s28] =	ssyncset.done $0x0  }
0x8d: {  	s17 =	sadd.s32 $0x2000, s17;
	s19 =	sadd.s32 s2, s19;
	[sflag:s28] =	ssyncadd.s32 $0xFFFFE000  }
0x8e: {  	[hbm4b:s19+s3] =	stream.linear.scatter [tilespmem:s13], [sflag:$0x3], $0x8000, $0x38;
	[tilespmem:$0x16400] =	vst v63  }
0x8f: {  	_ =	swait.ge [sflag:s30], $0x2000  }
0x90: {  	[sflag:s30] =	ssyncset.done $0x0  }
0x91: {  	[sflag:s30] =	ssyncadd.s32 $0xFFFFE000  }
0x92: {  	_ =	swait.ge [sflag:s30], $0x2000  }
0x93: {  	[sflag:s30] =	ssyncset.done $0x0  }
0x94: {  	[sflag:s30] =	ssyncadd.s32 $0xFFFFE000  }
0x95: {  	_ =	swait.ge [sflag:s30], $0x2000  }
0x96: {  	[sflag:s30] =	ssyncset.done $0x0  }
0x97: {  	[sflag:s30] =	ssyncadd.s32 $0xFFFFE000  }
0x98: {  	_ =	swait.ge [sflag:s30], $0x2000  }
0x99: {  	[sflag:s30] =	ssyncset.done $0x0  }
0x9a: {  	s1 =	sadd.s32 $0x1, s1;
	[sflag:s30] =	ssyncadd.s32 $0xFFFFE000  }
0x9b: {  	[hbm4b:s7+s3] =	stream.linear.scatter [tilespmem:s20], [sflag:$0x4], $0x8000, $0x38;
	[tilespmem:$0x16400] =	vst v63  }
0x9c: {  	p0 =	sne.s32 s1, s8;
	_ =	swait.ge [sflag:s29], $0x8000  }
.Ltmp1:
0x9d: {  	[sflag:s29] =	ssyncset.done $0x0;
	(pc) =	sbr.rel @p0 .LBB2_1-.Ltmp1, $4  }
0x9e: {  	[sflag:s29] =	ssyncadd.s32 $0xFFFF8000  }
0x9f: {  	_ =	swait.ge [sflag:s31], $0x8000  }
0xa0: {  	[sflag:s31] =	ssyncset.done $0x0  }
0xa1: {  	[sflag:s31] =	ssyncadd.s32 $0xFFFF8000  }
0xa2: {  	_ =	sfence.sel $0x180000  }
0xa3: {  	[bflag:$0x0] =	sbarrier.arrive $0xFFFF  }
0xa4: {  	_ =	strace $0x90000047  }
0xa5: {  	s0 =	stileid.u32;
	[bflag:$0x2] =	sbarrier.arrive $0xFFFF  }
0xa6: {  	p0 =	sne.s32 s0, $0x0;
	s0 =	rddreg [dreg:$0x2]  }
0xa7: {  	s0 =	sadd.s32 @!p0 $0x100000, s0  }
0xa8: {  	[sflag:s0] =	ssyncadd.tile.s32 @!p0 $0x1;
	_ =	shalt  }
.Lfunc_end2:
_tile_overlayer_lowered:
.L_overlay_start_2:
0xa9: {  	(tag) =	ssettag $0x2  }
0xaa: {  	s0 =	rddreg [dreg:$0x0];
	s2 =	stileid.u32  }
0xab: {  	s1 =	rddreg [dreg:$0x1];
	p0 =	sne.s32 s2, $0x0  }
0xac: {  	s3 =	rddreg [dreg:$0x2];
	[bflag:$0x3] =	sbarrier.arrive $0xFFFF;
	s2 =	simm.s32 @!p0 $0x1C05  }
0xad: {  	[timem:s3], [sflag:s2] =	dma.local @!p0 [hbm:s0], s1  }
0xae: {  	s0 =	simm.s32 @!p0 $0x5  }
0xaf: {  	_ =	swait.ge @!p0 [sflag:s0], s1  }
0xb0: {  	s1 =	ssub.s32 @!p0 $0x0, s1;
	[sflag:s0] =	ssyncset.done @!p0 $0x0  }
0xb1: {  	[sflag:s0] =	ssyncadd.s32 @!p0 s1  }
0xb2: {  	[bflag:$0x3] =	sbarrier.arrive $0xFFFF  }
0xb3: {  	_ =	shalt  }

// kernel: sparse-core-data-format-call.cloned.1.call-start
scs
called_computation_lowered:
.L_overlay_start_0:
0x0: {  	s2 =	sld [smem:$0x3FD9]  }
0x1: {  	s3 =	sld [smem:$0x3FFE];
	_ =	sdelay $0x1  }
0x2: {  	s1 =	srdreg.scid  }
0x3: {  	s0 =	sand.u32 $0x1, s1  }
0x4: {  	s18 =	sshll.u32 s0, $0xA;
	s2 =	sadd.s32 s3, s2  }
0x5: {  	s2 =	sadd.s32 s2, s18  }
0x6: {  	[smem:$0x3FC6] =	sst s2  }
0x7: {  	_ = 	snop  }
0x8: {  	s2 =	sld [smem:$0x3FD0];
	(tm) =	ssettm $0x1  }
0x9: {  	s19 =	sld [smem:$0x3FFB];
	_ =	sdelay $0x3  }
0xa: {  	_ =	strace s19  }
0xb: {  	s3 =	sld [smem:$0x3FFC];
	_ =	sdelay $0x3  }
0xc: {  	_ =	strace s3  }
0xd: {  	s3 =	sld [smem:$0x3FFD];
	_ =	sdelay $0x3  }
0xe: {  	_ =	strace s3  }
0xf: {  	_ =	strace $0x8FFFFFFF  }
0x10: {  	s20 =	sld [smem:$0x3FDB];
	_ =	sdelay $0x1  }
0x11: {  	s4 =	simm.s32 $_scs_section_size  }
0x12: {  	s5 =	simm.s32 $_size__tile_overlayer_lowered;
	s6 =	simm.s32 $_tile_overlayer_lowered  }
0x13: {  	s23 =	simm.s32 $0x1BFF;
	s22 =	sshll.u32 s6, $0x1;
	s3 =	sadd.s32 s4, s20  }
0x14: {  	s7 =	simm.s32 $0x0;
	s21 =	sshll.u32 s5, $0x1;
	s5 =	sadd.s32 s22, s3  }
0x15: {  	[timem:s7], [sflag:s23] =	dma.local [hbm:s5], s21  }
0x16: {  	_ =	swait.ge [sflag:s23], s21  }
0x17: {  	s4 =	ssub.s32 $0x0, s21;
	[sflag:s23] =	ssyncset.done $0x0  }
0x18: {  	[sflag:s23] =	ssyncadd.s32 s4;
	_ =	sdelay $0x1  }
0x19: {  	s24 =	simm.s32 $0x1B8B  }
0x1a: {  	_ =	swait.ge [sflag:s24], $0x1  }
0x1b: {  	[sflag:s24] =	ssyncset.done $0x0  }
0x1c: {  	s26 =	simm.s32 $0x1B8E;
	s25 =	sld [smem:$0x3FFE];
	[sflag:s24] =	ssyncadd.s32 $0xFFFFFFFF  }
0x1d: {  	s27 =	simm.s32 $execute0_lowered;
	[smem:$0x3FD2] =	sst s26  }
0x1e: {  	s5 =	sshll.u32 s27, $0x1;
	_ =	strace $0x80000049;
	[dreg:$0x1] =	wrdreg $0xFFFFFFFF  }
0x1f: {  	s28 =	simm.s32 $_size_execute0_lowered;
	s3 =	sadd.s32 s3, s5;
	[dreg:$0x0] =	wrdreg $0x0  }
0x20: {  	s5 =	sshll.u32 s28, $0x1;
	[dreg:$0x2] =	wrdreg s3  }
0x21: {  	[dreg:$0x3] =	wrdreg s5  }
0x22: {  	[dreg:$0x4] =	wrdreg $0xC0  }
0x23: {  	_ =	task [dreg:s7], $0x5FFFF  }
0x24: {  	[dreg:$0x1] =	wrdreg $0xFFFFFFFF  }
0x25: {  	[dreg:$0x0] =	wrdreg $0x60  }
0x26: {  	[dreg:$0x2] =	wrdreg s25  }
0x27: {  	[dreg:$0x3] =	wrdreg s2  }
0x28: {  	[dreg:$0x4] =	wrdreg $0x9  }
0x29: {  	_ =	task.clear_ibuf [dreg:s7], $0x5FFFF;
	_ =	strace $0x90000049  }
0x2a: {  	s29 =	simm.s32 $0x9;
	_ =	strace $0x8000004B  }
0x2b: {  	_ =	swait.ge [sflag:s29], $0x1  }
0x2c: {  	[sflag:s29] =	ssyncadd.s32 $0xFFFFFFFF  }
0x2d: {  	_ =	strace $0x9000004B  }
0x2e: {  	_ =	sfence  }
0x2f: {  	s30 =	sld [smem:$0x0];
	_ =	sdelay $0x2  }
0x30: {  	s31 =	sshll.u32 s1, $0xD;
	s1 =	sshrl.u32 s1, $0x2  }
0x31: {  	s3 =	sand.u32 $0x4000, s31;
	s1 =	sadd.s32 s1, s30  }
0x32: {  	s0 =	sor.u32 s3, s0;
	s1 =	sshll.u32 s1, $0x11  }
0x33: {  	s0 =	sor.u32 s1, s0  }
0x34: {  	s0 =	sadd.s32 $0x8F2B, s0  }
0x35: {  	[sflag:s0] =	ssyncadd.remote.s32 $0x1  }
0x36: {  	_ =	sfence.sel $0xFFFF  }
0x37: {  	[dreg:$0x0] =	wrdreg $0xFFFFFFFF;
	(pc) =	sbr.abs _section_cstart, $3  }
0x38: {  	[dreg:$0x1] =	wrdreg $0xFFFFFFFF  }
0x39: {  	_ =	task.clear_ibuf [dreg:s7], $0x2FFFF;
	_ =	strace $0x9FFFFFFF  }
0x3a: {  	(tm) =	ssettm $0x7FFFFFFF  }
0x3b: {  	_ =	shalt  }
tec
execute0_lowered:
.L_overlay_start_1:
0x0: {  	(tag) =	ssettag $0x1  }
0x1: {  	s0 =	srdreg.scid  }
0x2: {  	s1 =	sshll.u32 s0, $0x4  }
0x3: {  	s0 =	stileid.u32;
	s1 =	sand.u32 $0x10, s1  }
0x4: {  	s1 =	sor.u32 s0, s1  }
0x5: {  	s6 =	rddreg [dreg:$0x0];
	s4 =	simm.s32 $0x1;
	s2 =	sshll.u32 s1, $0x7  }
0x6: {  	s7 =	simm.s32 $0x2;
	s12 =	simm.s32 $0x0;
	s1 =	ssub.s32 $0x4000, s2  }
0x7: {  	s8 =	simm.s32 $0x20000;
	s13 =	simm.s32 $0x0;
	s3 =	sand.u32 $0xF80, s1  }
0x8: {  	s9 =	simm.s32 $0x0;
	s5 =	sshrl.u32 s1, $0xC;
	p0 =	sne.s32 s3, $0x0  }
.Ltmp0:
0x9: {  	s1 =	rddreg [dreg:$0x2];
	s4 =	simm.s32 @!p0 $0x0;
	(pc) =	sbr.rel .LBB1_1-.Ltmp0, $4  }
0xa: {  	s11 =	simm.s32 $0x0;
	s3 =	rddreg [dreg:$0x1];
	s5 =	sadd.s32 s4, s5  }
0xb: {  	_ =	strace $0x8000004A;
	s4 =	simm.s32 $0x1;
	s5 =	smul.u32 $0x32, s5  }
0xc: {  	s6 =	sadd.s32 $0xA00, s6;
	s10 =	smov.u32 s2;
	[sflag:s4] =	ssyncpa.u1 $0x0  }
0xd: {  	p0 =	por $0x0, $0x0;
	[sflag:s7] =	ssyncpa.u1 $0x0;
	s7 =	sor.u32 $0x1, s5  }
.LBB1_4:
0xe: {  	s16 =	sshll.u32 s13, $0x3;
	s17 =	sand.u32 $0x78, s13  }
0xf: {  	s30 =	sand.u32 $0x1F800, s13;
	s12 =	sshll.u32 s12, $0x11;
	s16 =	sand.u32 $0x3C00, s16  }
0x10: {  	[tilespmem:s15+$0x810 ss:$0x81] =	vst.msk $0xffff, v2;
	s31 =	sand.u32 $0x7, s13;
	s16 =	sor.u32 s17, s16;
	s17 =	sadd.s32 s3, s30  }
0x11: {  	[tilespmem:s15+$0x1020 ss:$0x81] =	vst.msk $0xffff, v0;
	s13 =	sshll.u32 s31, $0x12;
	s12 =	sadd.s32 s12, s17;
	s16 =	sshrl.u32 s16, $0x3  }
0x12: {  	[tilespmem:s15+$0x0 ss:$0x81] =	vst.msk $0xffff, v1;
	s13 =	sor.u32 $0x400, s13;
	s12 =	sadd.s32 s16, s12  }
0x13: {  	[hbm4b:s12+s13] =	stream.strided.scatter [tilespmem:s14], [sflag:$0x2], $0x2000, s8, s13, $0x20;
	[tilespmem:$0x8080] =	vst v63  }
.LBB1_5:
0x14: {  	s14 =	sadd.s32 $0x1, s9  }
0x15: {  	s12 =	sadd.s32 $0x1000, s10;
	s16 =	smov.u32 s10;
	p2 =	sgt.s32 s14, $0x31  }
0x16: {  	s16 =	smov.u32 @p2 s12  }
0x17: {  	s14 =	simm.s32 @p2 $0x0;
	p2 =	sgt.s32 s16, $0x3FFF  }
0x18: {  	s16 =	smov.u32 @p2 s2;
	p2 =	sne.s32 s11, s7  }
.Ltmp1:
0x19: {  	p1 =	slt.u32 s11, $0x2;
	(pc) =	sbr.rel @!p2 .LBB1_6-.Ltmp1, $4  }
0x1a: {  	s15 =	simm.s32 @!p1 $0x2  }
0x1b: {  	s13 =	smov.u32 s10;
	p0 =	por !p0, !p0;
	_ =	swait.ge @!p1 [sflag:s15], $0x2000  }
0x1c: {  	s12 =	smov.u32 s9;
	[sflag:s15] =	ssyncset.done @!p1 $0x0;
	s9 =	smov.u32 s14  }
0x1d: {  	s11 =	sadd.s32 $0x1, s11;
	[sflag:s15] =	ssyncadd.s32 @!p1 $0xFFFFE000;
	s10 =	smov.u32 s16  }
.LBB1_1:
0x1e: {  	p1 =	sge.u32 s11, s5  }
0x1f: {  	s14 =	sand.u32 @!p1 $0x1FFFFFF, s9  }
0x20: {  	s15 =	smulhi.u32 @!p1 $0x4924925, s14;
	_ =	sdelay $0x1  }
0x21: {  	s15 =	smul.u32 @!p1 $0x38, s15  }
0x22: {  	s16 =	sxor.u32 @!p1 $0xFFFFFFFF, s11;
	s17 =	smul.u32 @!p1 $0x380, s10  }
0x23: {  	s31 =	sadd.s32 $0xFFFFFFFF, s11;
	s16 =	sshll.u32 @!p1 s16, $0xD;
	s14 =	ssub.s32 @!p1 s14, s15  }
0x24: {  	s15 =	sand.u32 @!p1 $0x2000, s16;
	s16 =	sadd.s32 @!p1 s6, s17;
	s14 =	sshll.u32 @!p1 s14, $0x4  }
0x25: {  	s17 =	simm.s32 @!p1 $0x1C00;
	s14 =	sadd.s32 @!p1 s14, s16;
	s16 =	simm.s32 @!p1 $0x40  }
0x26: {  	[tilespmem:s15], [sflag:$0x1] =	stream.strided.gather @!p1 [hbm4b:s14+s16], $0x2000, s17, s16, $0x38;
	[tilespmem:$0x8080] =	vst v63  }
0x27: {  	p1 =	sge.u32 s31, s5  }
.Ltmp2:
0x28: {  	_ = 	snop;
	(pc) =	sbr.rel @p1 .LBB1_5-.Ltmp2, $1  }
0x29: {  	_ =	sdelay $0x3  }
0x2a: {  	s14 =	simm.s32 $0x1  }
0x2b: {  	_ =	swait.ge [sflag:s4], $0x2000;
	s14 =	simm.s32 @!p0 $0x0  }
0x2c: {  	[sflag:s4] =	ssyncset.done $0x0;
	s15 =	sshll.u32 s14, $0xD  }
0x2d: {  	[sflag:s4] =	ssyncadd.s32 $0xFFFFE000;
	s18 =	sor.u32 $0x20, s15  }
0x2e: {  	s14 =	smul.u32 $0x8100, s14;
	v3 =	vld [tilespmem:s18+$0x10]  }
0x2f: {  	s30 =	sand.u32 $0x1, s11;
	v2 =	vld [tilespmem:s18+$0xFFFFFFF0]  }
0x30: {  	s15 =	smul.u32 $0x8100, s30;
	s14 =	sshrl.u32 s14, $0x2;
	v0 =	vld [tilespmem:s18+$0x0]  }
0x31: {  	v1 =	vld [tilespmem:s18+$0xFFFFFFE0];
	s16 =	sor.u32 $0x4000, s14  }
0x32: {  	s31 =	sshrl.u32 s15, $0x2;
	s15 =	sadd.s32 $0x0, s16  }
0x33: {  	s17 =	simm.s32 $0x4;
	s18 =	sadd.s32 $0x40, s18;
	s14 =	sor.u32 $0x4000, s31;
	[tilespmem:s15+$0x1830 ss:$0x81] =	vst.msk $0xffff, v3  }
.LBB1_3:
0x34: {  	v3 =	vld [tilespmem:s18+$0x10];
	p1 =	sne.s32 s17, $0x1FC;
	[tilespmem:s15+$0x810 ss:$0x81] =	vst.msk $0xffff, v2;
	s19 =	smov.u32 s17;
	s17 =	sadd.s32 $0x4, s17  }
.Ltmp3:
0x35: {  	v2 =	vld [tilespmem:s18+$0xFFFFFFF0];
	[tilespmem:s15+$0x1020 ss:$0x81] =	vst.msk $0xffff, v0;
	(pc) =	sbr.rel @p1 .LBB1_3-.Ltmp3, $4  }
0x36: {  	v0 =	vld [tilespmem:s18+$0x0];
	[tilespmem:s15+$0x0 ss:$0x81] =	vst.msk $0xffff, v1  }
0x37: {  	s15 =	sshra.s32 s19, $0x2;
	v1 =	vld [tilespmem:s18+$0xFFFFFFE0]  }
0x38: {  	s15 =	sadd.s32 s15, s16  }
0x39: {  	s18 =	sadd.s32 $0x40, s18;
	[tilespmem:s15+$0x1830 ss:$0x81] =	vst.msk $0xffff, v3  }
.Ltmp4:
0x3a: {  	_ = 	snop;
	(pc) =	sbr.rel .LBB1_4-.Ltmp4, $1  }
0x3b: {  	_ =	sdelay $0x3  }
.LBB1_6:
0x3c: {  	_ =	sfence.sel $0x180000  }
0x3d: {  	s2 =	simm.s32 $0x1;
	[bflag:$0x0] =	sbarrier.arrive $0xFFFF  }
0x3e: {  	s31 =	simm.s32 $0x2;
	[sflag:s2] =	ssyncpa.u1 $0x1  }
0x3f: {  	[sflag:s31] =	ssyncpa.u1 $0x1  }
0x40: {  	p0 =	sne.s32 s0, $0x0;
	_ =	strace $0x9000004A  }
0x41: {  	s0 =	sadd.s32 @!p0 $0x100000, s1;
	[bflag:$0x2] =	sbarrier.arrive $0xFFFF  }
0x42: {  	[sflag:s0] =	ssyncadd.tile.s32 @!p0 $0x1;
	_ =	shalt  }
.Lfunc_end1:
_tile_overlayer_lowered:
.L_overlay_start_2:
0x43: {  	(tag) =	ssettag $0x2  }
0x44: {  	s0 =	rddreg [dreg:$0x0];
	s2 =	stileid.u32  }
0x45: {  	s1 =	rddreg [dreg:$0x1];
	p0 =	sne.s32 s2, $0x0  }
0x46: {  	s3 =	rddreg [dreg:$0x2];
	[bflag:$0x3] =	sbarrier.arrive $0xFFFF;
	s2 =	simm.s32 @!p0 $0x1C01  }
0x47: {  	[timem:s3], [sflag:s2] =	dma.local @!p0 [hbm:s0], s1  }
0x48: {  	s0 =	simm.s32 @!p0 $0x1  }
0x49: {  	_ =	swait.ge @!p0 [sflag:s0], s1  }
0x4a: {  	s1 =	ssub.s32 @!p0 $0x0, s1;
	[sflag:s0] =	ssyncset.done @!p0 $0x0  }
0x4b: {  	[sflag:s0] =	ssyncadd.s32 @!p0 s1  }
0x4c: {  	[bflag:$0x3] =	sbarrier.arrive $0xFFFF  }
0x4d: {  	_ =	shalt  }

</sc_bundles>
